<compile_context>
chip_gen: v7x
topology: tpu7x:2x2x1
jax: 0.10.2.dev20260603
libtpu: 0.0.44.dev20260713+nightly
codegen_flags: <defaults>
</compile_context>

<pallas_src>
import math

import jax
import jax.numpy as jnp
from jax import lax
from jax.experimental import pallas as pl
from jax.experimental.pallas import tpu as pltpu
from jax.experimental.pallas import tpu_sc as plsc

N = 100000
H = W = 512
TILE = 16
NTH = NTW = 32
NT = NTH * NTW
FX = FY = 500.0
CX = CY = 256.0

GS = 32
G = GS * 128
STEPS = -(-N // G)
NPAD = STEPS * G
NROW = NPAD // 128
NF = 38
NCORE = 2
NSUB = 16
NWORK = NCORE * NSUB
CHUNK = NPAD // NWORK

_C0 = 0.28209479177387814
_C1 = 0.4886025119029199
_C2 = 1.0925484305920792
_C3 = 0.31539156525252005
_C4 = 0.5462742152960396


def _bt(x):
    return x.astype(jnp.bfloat16).astype(jnp.float32)


def _gauss_body(rwt, pb_ref, pf_ref, tix_ref, v0_ref, v1_ref, v2_ref, v3_ref):
    step = pl.program_id(0)
    ii = (lax.broadcasted_iota(jnp.int32, (GS, 128), 0) * 128
          + lax.broadcasted_iota(jnp.int32, (GS, 128), 1))
    valid = (step * G + ii) < N

    mb = [pb_ref[i].astype(jnp.float32) for i in range(3)]
    rwb = lambda i, j: _bt(rwt[3 * i + j])
    p0 = rwb(0, 0) * mb[0] + rwb(0, 1) * mb[1] + rwb(0, 2) * mb[2] + rwt[9]
    p1 = rwb(1, 0) * mb[0] + rwb(1, 1) * mb[1] + rwb(1, 2) * mb[2] + rwt[10]
    p2 = rwb(2, 0) * mb[0] + rwb(2, 1) * mb[1] + rwb(2, 2) * mb[2] + rwt[11]

    zs = jnp.maximum(p2, 1e-4)
    u = FX * p0 / zs + CX
    v = FY * p1 / zs + CY
    mask = (p2 > 0.2) & (u >= 0.0) & (u < float(W)) & (v >= 0.0) & (v < float(H))

    q0 = pf_ref[0]
    q1 = pf_ref[1]
    q2 = pf_ref[2]
    q3 = pf_ref[3]
    qn = jnp.sqrt(q0 * q0 + q1 * q1 + q2 * q2 + q3 * q3) + 1e-8
    qw, qx, qy, qz = q0 / qn, q1 / qn, q2 / qn, q3 / qn
    r = [[1 - 2 * (qy * qy + qz * qz), 2 * (qx * qy - qw * qz), 2 * (qx * qz + qw * qy)],
         [2 * (qx * qy + qw * qz), 1 - 2 * (qx * qx + qz * qz), 2 * (qy * qz - qw * qx)],
         [2 * (qx * qz - qw * qy), 2 * (qy * qz + qw * qx), 1 - 2 * (qx * qx + qy * qy)]]
    sv = [jnp.exp(pf_ref[4 + k]) for k in range(3)]
    mB = [[_bt(r[i][k] * sv[k]) for k in range(3)] for i in range(3)]
    cov = [[mB[i][0] * mB[j][0] + mB[i][1] * mB[j][1] + mB[i][2] * mB[j][2]
            for j in range(3)] for i in range(3)]
    t1 = [[rwb(i, 0) * _bt(cov[0][j]) + rwb(i, 1) * _bt(cov[1][j])
           + rwb(i, 2) * _bt(cov[2][j]) for j in range(3)] for i in range(3)]
    cc = [[_bt(t1[i][0]) * rwb(l, 0) + _bt(t1[i][1]) * rwb(l, 1)
           + _bt(t1[i][2]) * rwb(l, 2) for l in range(3)] for i in range(3)]
    a = FX / zs
    bq = -FX * p0 / (zs * zs)
    c = FY / zs
    dq = -FY * p1 / (zs * zs)
    ab, bqb, cb, dqb = _bt(a), _bt(bq), _bt(c), _bt(dq)
    t20 = [ab * _bt(cc[0][k]) + bqb * _bt(cc[2][k]) for k in range(3)]
    t21 = [cb * _bt(cc[1][k]) + dqb * _bt(cc[2][k]) for k in range(3)]
    v00 = _bt(t20[0]) * ab + _bt(t20[2]) * bqb + 0.3
    v01 = _bt(t20[1]) * cb + _bt(t20[2]) * dqb
    v10 = _bt(t21[0]) * ab + _bt(t21[2]) * bqb
    v11 = _bt(t21[1]) * cb + _bt(t21[2]) * dqb + 0.3
    det = v00 * v11 - v01 * v10
    area = 2.0 * math.pi * jnp.sqrt(jnp.maximum(det, 1e-8))
    alpha = jax.nn.sigmoid(pf_ref[7])
    wsp = alpha * jnp.clip(area / (TILE * TILE), 0.0, 1.0)
    wsp = jnp.where(valid & mask, wsp, 0.0)

    nrm = jnp.sqrt(p0 * p0 + p1 * p1 + p2 * p2) + 1e-8
    dx, dy, dz = p0 / nrm, p1 / nrm, p2 / nrm
    bs = (jnp.full_like(dx, _C0),
          -_C1 * dy, _C1 * dz, -_C1 * dx,
          _C2 * dx * dy, -_C2 * dy * dz,
          _C3 * (2 * dz * dz - dx * dx - dy * dy),
          -_C2 * dx * dz, _C4 * (dx * dx - dy * dy))
    bsb = [_bt(x) for x in bs]
    wc = []
    for ch in range(3):
        acc = pb_ref[3 + ch * 9].astype(jnp.float32) * bsb[0]
        for k in range(1, 9):
            acc = acc + pb_ref[3 + ch * 9 + k].astype(jnp.float32) * bsb[k]
        wc.append(jnp.where(valid, wsp * jax.nn.sigmoid(acc), 0.0))

    ti = jnp.clip(jnp.floor(v / TILE).astype(jnp.int32), 0, NTH - 1)
    tj = jnp.clip(jnp.floor(u / TILE).astype(jnp.int32), 0, NTW - 1)
    tix = jnp.where(valid, ti * NTW + tj, 0)
    tix = jnp.clip(tix, 0, NT - 1)

    tix_ref[...] = tix
    v0_ref[...] = wsp
    v1_ref[...] = wc[0]
    v2_ref[...] = wc[1]
    v3_ref[...] = wc[2]


def _gauss_call(rwt, pb, pf):
    return pl.pallas_call(
        _gauss_body,
        grid=(STEPS,),
        in_specs=[
            pl.BlockSpec(memory_space=pltpu.SMEM),
            pl.BlockSpec((30, GS, 128), lambda s: (0, s, 0)),
            pl.BlockSpec((8, GS, 128), lambda s: (0, s, 0)),
        ],
        out_specs=[pl.BlockSpec((GS, 128), lambda s: (s, 0))] * 5,
        out_shape=[jax.ShapeDtypeStruct((NROW, 128), jnp.int32)]
        + [jax.ShapeDtypeStruct((NROW, 128), jnp.float32)] * 4,
    )(rwt, pb, pf)


def _sc_scatter_body(tix_hbm, v0_hbm, v1_hbm, v2_hbm, v3_hbm, out_hbm,
                     a0, a1, a2, a3, idx_v, w0, w1, w2, w3, zero_v, lsem):
    cid = lax.axis_index("c")
    sid = lax.axis_index("s")
    accs = (a0, a1, a2, a3)
    for j in range(4):
        zero_v[pl.ds(j * 16, 16)] = jnp.zeros((16,), jnp.float32)
    for acc in accs:
        pltpu.sync_copy(zero_v, acc.at[pl.ds(sid * 64, 64)])
    plsc.subcore_barrier()
    wid = cid * NSUB + sid
    base = wid * CHUNK
    vbufs = (w0, w1, w2, w3)
    cps = [pltpu.async_copy(v_hbm.at[pl.ds(base, CHUNK)], vbufs[ch], lsem)
           for ch, v_hbm in enumerate((v0_hbm, v1_hbm, v2_hbm, v3_hbm))]
    pltpu.sync_copy(tix_hbm.at[pl.ds(base, CHUNK)], idx_v)
    for cp in cps:
        cp.wait()
    for ch in range(4):
        pltpu.sync_copy(vbufs[ch], accs[ch].at[idx_v], add=True)
    plsc.subcore_barrier()
    for ch in range(4):
        @pl.when(sid == ch)
        def _write(ch=ch):
            pltpu.sync_copy(accs[ch], out_hbm.at[cid, ch])


def _sc_call(tix, v0, v1, v2, v3):
    return pl.kernel(
        _sc_scatter_body,
        out_type=jax.ShapeDtypeStruct((NCORE, 4, NT), jnp.float32),
        mesh=plsc.VectorSubcoreMesh(core_axis_name="c", subcore_axis_name="s"),
        scratch_types=[
            pltpu.VMEM_SHARED((NT,), jnp.float32),
            pltpu.VMEM_SHARED((NT,), jnp.float32),
            pltpu.VMEM_SHARED((NT,), jnp.float32),
            pltpu.VMEM_SHARED((NT,), jnp.float32),
            pltpu.VMEM((CHUNK,), jnp.int32),
            pltpu.VMEM((CHUNK,), jnp.float32),
            pltpu.VMEM((CHUNK,), jnp.float32),
            pltpu.VMEM((CHUNK,), jnp.float32),
            pltpu.VMEM((CHUNK,), jnp.float32),
            pltpu.VMEM((64,), jnp.float32),
            pltpu.SemaphoreType.DMA,
        ],
    )(tix, v0, v1, v2, v3)


def _finish_body(parts_ref, img_ref):
    acc = parts_ref[0] + parts_ref[1]
    deni = 1.0 / (acc[0] + 1e-6)
    colc = lax.broadcasted_iota(jnp.int32, (NTW, W * 3), 1)
    rowt = lax.broadcasted_iota(jnp.int32, (NTW, W * 3), 0)
    q = jnp.zeros((NTH, W * 3), jnp.float32)
    for ch in range(3):
        rgb = acc[ch + 1] * deni
        sel = ((colc % 3 == ch) & (colc // (3 * TILE) == rowt)
               ).astype(jnp.float32)
        q = q + jnp.dot(rgb, sel, precision=lax.Precision.HIGHEST,
                        preferred_element_type=jnp.float32)
    prow = (lax.broadcasted_iota(jnp.int32, (H, NTH), 0) // TILE ==
            lax.broadcasted_iota(jnp.int32, (H, NTH), 1)).astype(jnp.float32)
    img_ref[...] = jnp.dot(prow, q, precision=lax.Precision.HIGHEST,
                           preferred_element_type=jnp.float32)


def _finish_call(parts):
    return pl.pallas_call(
        _finish_body,
        out_shape=jax.ShapeDtypeStruct((H, W * 3), jnp.float32),
    )(parts)


def kernel(mean, qvec, svec_raw, sh_coeffs, alpha_raw, c2w):
    rwm = c2w[:3, :3].T
    t = -rwm @ c2w[:3, 3]
    rwt = jnp.concatenate([rwm.reshape(-1), t,
                           jnp.zeros((4,), jnp.float32)]).astype(jnp.float32)
    catb = jnp.concatenate([
        mean, sh_coeffs.reshape(N, 3 * 9),
    ], axis=1).astype(jnp.bfloat16)
    catf = jnp.concatenate([
        qvec, svec_raw, alpha_raw[:, None],
    ], axis=1)
    pb = jnp.pad(catb.T, ((0, 0), (0, NPAD - N))).reshape(30, NROW, 128)
    pf = jnp.pad(catf.T, ((0, 0), (0, NPAD - N))).reshape(8, NROW, 128)
    tix, v0, v1, v2, v3 = _gauss_call(rwt, pb, pf)
    parts = _sc_call(tix.reshape(NPAD), v0.reshape(NPAD), v1.reshape(NPAD),
                     v2.reshape(NPAD), v3.reshape(NPAD))
    img = _finish_call(parts.reshape(NCORE, 4, NTH, NTW))
    return img.reshape(H, W, 3)

# --- scband reference (transcript-rebuilt; emitter-appended) ---
"""Pipeline reference for scband-shrenderer-6579889898136 (READ-ONLY COPY).

The authoritative reference and input builder live on the scoring server;
editing this copy changes nothing except your own understanding.
"""

import jax, jax.numpy as jnp
import numpy as np

N = 100000
SH_C = 3
H, W = 512, 512
TILE = 16
NTH, NTW = H // TILE, W // TILE
NT = NTH * NTW
FX = FY = 500.0
CX, CY = W / 2.0, H / 2.0
SH_BASE = 0.28209479177387814


def setup_inputs(seed: int = 0):
    key = jax.random.key(seed)
    k1, k2, k3 = jax.random.split(key, 3)
    xy = jax.random.uniform(k1, (N, 2), minval=-2.0, maxval=2.0)
    z = jax.random.uniform(k2, (N, 1), minval=2.0, maxval=6.0)
    mean = jnp.concatenate([xy, z], axis=-1).astype(jnp.float32)
    qvec = jnp.zeros((N, 4), dtype=jnp.float32).at[:, 0].set(1.0)
    svec_raw = jnp.full((N, 3), float(np.log(0.02)), dtype=jnp.float32)
    rgb = jax.random.uniform(k3, (N, 3), minval=0.05, maxval=0.95)
    sh_coeffs = jnp.zeros((N, 3, SH_C * SH_C), dtype=jnp.float32).at[:, :, 0].set(jnp.log(rgb / (1.0 - rgb)) / SH_BASE)
    alpha_raw = jnp.full((N,), float(np.log(0.1 / 0.9)), dtype=jnp.float32)
    c2w = jnp.eye(4, dtype=jnp.float32)
    return {"mean": mean, "qvec": qvec, "svec_raw": svec_raw, "sh_coeffs": sh_coeffs, "alpha_raw": alpha_raw, "c2w": c2w}


def _quat_to_rot(q):
    q = q / (jnp.linalg.norm(q, axis=-1, keepdims=True) + 1e-8)
    w, x, y, z = q[:, 0], q[:, 1], q[:, 2], q[:, 3]
    R = jnp.stack([
        1 - 2 * (y * y + z * z), 2 * (x * y - w * z), 2 * (x * z + w * y),
        2 * (x * y + w * z), 1 - 2 * (x * x + z * z), 2 * (y * z - w * x),
        2 * (x * z - w * y), 2 * (y * z + w * x), 1 - 2 * (x * x + y * y)],
        axis=-1).reshape(-1, 3, 3)
    return R


def _sh_basis(d):
    x, y, z = d[:, 0], d[:, 1], d[:, 2]
    xx, yy, zz = x * x, y * y, z * z
    C0 = 0.28209479177387814
    C1 = 0.4886025119029199
    return jnp.stack([
        jnp.full_like(x, C0),
        -C1 * y, C1 * z, -C1 * x,
        1.0925484305920792 * x * y,
        -1.0925484305920792 * y * z,
        0.31539156525252005 * (2 * zz - xx - yy),
        -1.0925484305920792 * x * z,
        0.5462742152960396 * (xx - yy)], axis=-1)


def reference(mean, qvec, svec_raw, sh_coeffs, alpha_raw, c2w):
    # activations (svec_act=exp, alpha_act=sigmoid)
    svec = jnp.exp(svec_raw)
    alpha = jax.nn.sigmoid(alpha_raw)
    # world -> camera
    Rw = c2w[:3, :3].T
    t = -Rw @ c2w[:3, 3]
    p = mean @ Rw.T + t
    depth = p[:, 2]
    zs = jnp.maximum(depth, 1e-4)
    u = FX * p[:, 0] / zs + CX
    v = FY * p[:, 1] / zs + CY
    # frustum culling (mask instead of dynamic boolean indexing)
    mask = ((depth > 0.2) & (u >= 0) & (u < W) & (v >= 0) & (v < H)).astype(jnp.float32)
    # 3D covariance from qvec/svec, projected to 2D (project_gaussians)
    R = _quat_to_rot(qvec)
    M = R * svec[:, None, :]
    cov3d = M @ jnp.swapaxes(M, 1, 2)
    cov_cam = jnp.einsum('ij,njk,lk->nil', Rw, cov3d, Rw)
    zero = jnp.zeros_like(zs)
    J = jnp.stack([
        jnp.stack([FX / zs, zero, -FX * p[:, 0] / (zs * zs)], axis=-1),
        jnp.stack([zero, FY / zs, -FY * p[:, 1] / (zs * zs)], axis=-1)], axis=1)
    cov2d = jnp.einsum('nij,njk,nlk->nil', J, cov_cam, J) + 0.3 * jnp.eye(2, dtype=jnp.float32)
    det = cov2d[:, 0, 0] * cov2d[:, 1, 1] - cov2d[:, 0, 1] * cov2d[:, 1, 0]
    area = 2.0 * jnp.pi * jnp.sqrt(jnp.maximum(det, 1e-8))
    w_splat = alpha * jnp.clip(area / (TILE * TILE), 0.0, 1.0) * mask
    # SH color eval (render_sh)
    d = p / (jnp.linalg.norm(p, axis=-1, keepdims=True) + 1e-8)
    basis = _sh_basis(d)
    color = jax.nn.sigmoid(jnp.einsum('nck,nk->nc', sh_coeffs, basis))
    # tile binning: histogram of gaussians over tiles (tile_culling_aabb_start_end)
    ti = jnp.clip((v // TILE).astype(jnp.int32), 0, NTH - 1)
    tj = jnp.clip((u // TILE).astype(jnp.int32), 0, NTW - 1)
    tile_idx = ti * NTW + tj
    # sort by (tile, depth) as the CUDA kernel does
    key_sort = tile_idx.astype(jnp.float32) * 1e4 + jnp.clip(depth, 0.0, 100.0)
    order = jnp.argsort(key_sort)
    tile_s = tile_idx[order]
    w_s = w_splat[order]
    c_s = color[order]
    num = jnp.zeros((NT, 3), dtype=jnp.float32).at[tile_s].add(w_s[:, None] * c_s)
    den = jnp.zeros((NT,), dtype=jnp.float32).at[tile_s].add(w_s)
    tile_rgb = num / (den[:, None] + 1e-6)
    img = jnp.repeat(jnp.repeat(tile_rgb.reshape(NTH, NTW, 3), TILE, axis=0), TILE, axis=1)
    return img

if __name__ == "__main__":
    import jax
    _d = setup_inputs()
    print(jax.jit(kernel)(*tuple(_d.values())))

</pallas_src>

<mosaic_0001>
#map = affine_map<(d0, d1) -> (0)>
#map1 = affine_map<(d0, d1) -> (0, 0, 0)>
module attributes {stable_mosaic.version = 14 : i64} {
  func.func @_sc_scatter_body(%arg0: i32, %arg1: i32, %arg2: memref<102400xi32, #tpu.memory_space<hbm>>, %arg3: memref<102400xf32, #tpu.memory_space<hbm>>, %arg4: memref<102400xf32, #tpu.memory_space<hbm>>, %arg5: memref<102400xf32, #tpu.memory_space<hbm>>, %arg6: memref<102400xf32, #tpu.memory_space<hbm>>, %arg7: memref<2x4x1024xf32, #tpu.memory_space<hbm>>, %arg8: memref<1024xf32, #tpu.memory_space<vmem_shared>>, %arg9: memref<1024xf32, #tpu.memory_space<vmem_shared>>, %arg10: memref<1024xf32, #tpu.memory_space<vmem_shared>>, %arg11: memref<1024xf32, #tpu.memory_space<vmem_shared>>, %arg12: memref<3200xi32, #tpu.memory_space<vmem>>, %arg13: memref<3200xf32, #tpu.memory_space<vmem>>, %arg14: memref<3200xf32, #tpu.memory_space<vmem>>, %arg15: memref<3200xf32, #tpu.memory_space<vmem>>, %arg16: memref<3200xf32, #tpu.memory_space<vmem>>, %arg17: memref<64xf32, #tpu.memory_space<vmem>>, %arg18: memref<!tpu.dma_semaphore, #tpu.memory_space<semaphore_mem>>) attributes {dimension_semantics = [#tpu.dimension_semantics<core_parallel>, #tpu.dimension_semantics<subcore_parallel>], iteration_bounds = array<i64: 2, 16>, scalar_prefetch = 0 : i64, scratch_operands = 11 : i64, tpu.core_type = #tpu.core_type<sc_vector_subcore>, window_params = [{transform_indices = #map}, {transform_indices = #map}, {transform_indices = #map}, {transform_indices = #map}, {transform_indices = #map}, {transform_indices = #map1}]} {
    %broadcast_in_dim3A = arith.constant 0.000000e+00 : f32
    %broadcast_in_dim3A_0 = vector.broadcast %broadcast_in_dim3A : f32 to vector<16xf32>
    %swap3A = arith.constant 0 : index
    %swap3A_1 = tpu.vector_load %arg17[%swap3A] {strides = array<i32>} : memref<64xf32, #tpu.memory_space<vmem>>, vector<16xf32>,
    %swap3A_2 = vector.shape_cast %swap3A_1 : vector<16xf32> to vector<16xf32>
    %swap3A_3 = vector.shape_cast %broadcast_in_dim3A_0 : vector<16xf32> to vector<16xf32>
    tpu.vector_store %arg17[%swap3A], %swap3A_3 {strides = array<i32>} : memref<64xf32, #tpu.memory_space<vmem>>, vector<16xf32>,
    %broadcast_in_dim3A_4 = arith.constant 0.000000e+00 : f32
    %broadcast_in_dim3A_5 = vector.broadcast %broadcast_in_dim3A_4 : f32 to vector<16xf32>
    %swap3A_6 = arith.constant 16 : index
    %swap3A_7 = tpu.vector_load %arg17[%swap3A_6] {strides = array<i32>} : memref<64xf32, #tpu.memory_space<vmem>>, vector<16xf32>,
    %swap3A_8 = vector.shape_cast %swap3A_7 : vector<16xf32> to vector<16xf32>
    %swap3A_9 = vector.shape_cast %broadcast_in_dim3A_5 : vector<16xf32> to vector<16xf32>
    tpu.vector_store %arg17[%swap3A_6], %swap3A_9 {strides = array<i32>} : memref<64xf32, #tpu.memory_space<vmem>>, vector<16xf32>,
    %broadcast_in_dim3A_10 = arith.constant 0.000000e+00 : f32
    %broadcast_in_dim3A_11 = vector.broadcast %broadcast_in_dim3A_10 : f32 to vector<16xf32>
    %swap3A_12 = arith.constant 32 : index
    %swap3A_13 = tpu.vector_load %arg17[%swap3A_12] {strides = array<i32>} : memref<64xf32, #tpu.memory_space<vmem>>, vector<16xf32>,
    %swap3A_14 = vector.shape_cast %swap3A_13 : vector<16xf32> to vector<16xf32>
    %swap3A_15 = vector.shape_cast %broadcast_in_dim3A_11 : vector<16xf32> to vector<16xf32>
    tpu.vector_store %arg17[%swap3A_12], %swap3A_15 {strides = array<i32>} : memref<64xf32, #tpu.memory_space<vmem>>, vector<16xf32>,
    %broadcast_in_dim3A_16 = arith.constant 0.000000e+00 : f32
    %broadcast_in_dim3A_17 = vector.broadcast %broadcast_in_dim3A_16 : f32 to vector<16xf32>
    %swap3A_18 = arith.constant 48 : index
    %swap3A_19 = tpu.vector_load %arg17[%swap3A_18] {strides = array<i32>} : memref<64xf32, #tpu.memory_space<vmem>>, vector<16xf32>,
    %swap3A_20 = vector.shape_cast %swap3A_19 : vector<16xf32> to vector<16xf32>
    %swap3A_21 = vector.shape_cast %broadcast_in_dim3A_17 : vector<16xf32> to vector<16xf32>
    tpu.vector_store %arg17[%swap3A_18], %swap3A_21 {strides = array<i32>} : memref<64xf32, #tpu.memory_space<vmem>>, vector<16xf32>,
    %mul3A = arith.constant 64 : i32
    %mul3A_22 = arith.muli %arg1, %mul3A : i32
    "tpu.region"() ({
      %run_scoped3A = tpu.sem_alloc : memref<!tpu.dma_semaphore, #tpu.memory_space<semaphore_mem>>
      %dma_start3A_65 = tpu.memref_slice %arg8[%mul3A_22] : memref<1024xf32, #tpu.memory_space<vmem_shared>> -> memref<64xf32, #tpu.memory_space<vmem_shared>>
      %dma_start3A_66 = tpu.memref_slice %arg8[%mul3A_22] : memref<1024xf32, #tpu.memory_space<vmem_shared>> -> memref<64xf32, #tpu.memory_space<vmem_shared>>
      tpu.enqueue_dma source(%arg17 : memref<64xf32, #tpu.memory_space<vmem>>) target(%dma_start3A_66 : memref<64xf32, #tpu.memory_space<vmem_shared>>) target_semaphore(%run_scoped3A : memref<!tpu.dma_semaphore, #tpu.memory_space<semaphore_mem>>)
      %dma_wait3A_67 = tpu.memref_slice %arg8[%mul3A_22] : memref<1024xf32, #tpu.memory_space<vmem_shared>> -> memref<64xf32, #tpu.memory_space<vmem_shared>>
      %dma_wait3A_68 = tpu.memref_slice %arg8[%mul3A_22] : memref<1024xf32, #tpu.memory_space<vmem_shared>> -> memref<64xf32, #tpu.memory_space<vmem_shared>>
      tpu.wait_dma2 semaphore(%run_scoped3A : memref<!tpu.dma_semaphore, #tpu.memory_space<semaphore_mem>>) src(%arg17 : memref<64xf32, #tpu.memory_space<vmem>>) dst(%dma_wait3A_68 : memref<64xf32, #tpu.memory_space<vmem_shared>>)
      tpu.yield
    }) : () -> ()
    %mul3A_23 = arith.constant 64 : i32
    %mul3A_24 = arith.muli %arg1, %mul3A_23 : i32
    "tpu.region"() ({
      %run_scoped3A = tpu.sem_alloc : memref<!tpu.dma_semaphore, #tpu.memory_space<semaphore_mem>>
      %dma_start3A_65 = tpu.memref_slice %arg9[%mul3A_24] : memref<1024xf32, #tpu.memory_space<vmem_shared>> -> memref<64xf32, #tpu.memory_space<vmem_shared>>
      %dma_start3A_66 = tpu.memref_slice %arg9[%mul3A_24] : memref<1024xf32, #tpu.memory_space<vmem_shared>> -> memref<64xf32, #tpu.memory_space<vmem_shared>>
      tpu.enqueue_dma source(%arg17 : memref<64xf32, #tpu.memory_space<vmem>>) target(%dma_start3A_66 : memref<64xf32, #tpu.memory_space<vmem_shared>>) target_semaphore(%run_scoped3A : memref<!tpu.dma_semaphore, #tpu.memory_space<semaphore_mem>>)
      %dma_wait3A_67 = tpu.memref_slice %arg9[%mul3A_24] : memref<1024xf32, #tpu.memory_space<vmem_shared>> -> memref<64xf32, #tpu.memory_space<vmem_shared>>
      %dma_wait3A_68 = tpu.memref_slice %arg9[%mul3A_24] : memref<1024xf32, #tpu.memory_space<vmem_shared>> -> memref<64xf32, #tpu.memory_space<vmem_shared>>
      tpu.wait_dma2 semaphore(%run_scoped3A : memref<!tpu.dma_semaphore, #tpu.memory_space<semaphore_mem>>) src(%arg17 : memref<64xf32, #tpu.memory_space<vmem>>) dst(%dma_wait3A_68 : memref<64xf32, #tpu.memory_space<vmem_shared>>)
      tpu.yield
    }) : () -> ()
    %mul3A_25 = arith.constant 64 : i32
    %mul3A_26 = arith.muli %arg1, %mul3A_25 : i32
    "tpu.region"() ({
      %run_scoped3A = tpu.sem_alloc : memref<!tpu.dma_semaphore, #tpu.memory_space<semaphore_mem>>
      %dma_start3A_65 = tpu.memref_slice %arg10[%mul3A_26] : memref<1024xf32, #tpu.memory_space<vmem_shared>> -> memref<64xf32, #tpu.memory_space<vmem_shared>>
      %dma_start3A_66 = tpu.memref_slice %arg10[%mul3A_26] : memref<1024xf32, #tpu.memory_space<vmem_shared>> -> memref<64xf32, #tpu.memory_space<vmem_shared>>
      tpu.enqueue_dma source(%arg17 : memref<64xf32, #tpu.memory_space<vmem>>) target(%dma_start3A_66 : memref<64xf32, #tpu.memory_space<vmem_shared>>) target_semaphore(%run_scoped3A : memref<!tpu.dma_semaphore, #tpu.memory_space<semaphore_mem>>)
      %dma_wait3A_67 = tpu.memref_slice %arg10[%mul3A_26] : memref<1024xf32, #tpu.memory_space<vmem_shared>> -> memref<64xf32, #tpu.memory_space<vmem_shared>>
      %dma_wait3A_68 = tpu.memref_slice %arg10[%mul3A_26] : memref<1024xf32, #tpu.memory_space<vmem_shared>> -> memref<64xf32, #tpu.memory_space<vmem_shared>>
      tpu.wait_dma2 semaphore(%run_scoped3A : memref<!tpu.dma_semaphore, #tpu.memory_space<semaphore_mem>>) src(%arg17 : memref<64xf32, #tpu.memory_space<vmem>>) dst(%dma_wait3A_68 : memref<64xf32, #tpu.memory_space<vmem_shared>>)
      tpu.yield
    }) : () -> ()
    %mul3A_27 = arith.constant 64 : i32
    %mul3A_28 = arith.muli %arg1, %mul3A_27 : i32
    "tpu.region"() ({
      %run_scoped3A = tpu.sem_alloc : memref<!tpu.dma_semaphore, #tpu.memory_space<semaphore_mem>>
      %dma_start3A_65 = tpu.memref_slice %arg11[%mul3A_28] : memref<1024xf32, #tpu.memory_space<vmem_shared>> -> memref<64xf32, #tpu.memory_space<vmem_shared>>
      %dma_start3A_66 = tpu.memref_slice %arg11[%mul3A_28] : memref<1024xf32, #tpu.memory_space<vmem_shared>> -> memref<64xf32, #tpu.memory_space<vmem_shared>>
      tpu.enqueue_dma source(%arg17 : memref<64xf32, #tpu.memory_space<vmem>>) target(%dma_start3A_66 : memref<64xf32, #tpu.memory_space<vmem_shared>>) target_semaphore(%run_scoped3A : memref<!tpu.dma_semaphore, #tpu.memory_space<semaphore_mem>>)
      %dma_wait3A_67 = tpu.memref_slice %arg11[%mul3A_28] : memref<1024xf32, #tpu.memory_space<vmem_shared>> -> memref<64xf32, #tpu.memory_space<vmem_shared>>
      %dma_wait3A_68 = tpu.memref_slice %arg11[%mul3A_28] : memref<1024xf32, #tpu.memory_space<vmem_shared>> -> memref<64xf32, #tpu.memory_space<vmem_shared>>
      tpu.wait_dma2 semaphore(%run_scoped3A : memref<!tpu.dma_semaphore, #tpu.memory_space<semaphore_mem>>) src(%arg17 : memref<64xf32, #tpu.memory_space<vmem>>) dst(%dma_wait3A_68 : memref<64xf32, #tpu.memory_space<vmem_shared>>)
      tpu.yield
    }) : () -> ()
    %barrier3A = arith.constant 0 : index
    tpu.barrier barrier_id(%barrier3A)
    %mul3A_29 = arith.constant 16 : i32
    %mul3A_30 = arith.muli %arg0, %mul3A_29 : i32
    %add3A = arith.addi %mul3A_30, %arg1 : i32
    %mul3A_31 = arith.constant 3200 : i32
    %mul3A_32 = arith.muli %add3A, %mul3A_31 : i32
    %dma_start3A = tpu.memref_slice %arg3[%mul3A_32] : memref<102400xf32, #tpu.memory_space<hbm>> -> memref<3200xf32, #tpu.memory_space<hbm>>
    %dma_start3A_33 = tpu.memref_slice %arg3[%mul3A_32] : memref<102400xf32, #tpu.memory_space<hbm>> -> memref<3200xf32, #tpu.memory_space<hbm>>
    tpu.enqueue_dma source(%dma_start3A_33 : memref<3200xf32, #tpu.memory_space<hbm>>) target(%arg13 : memref<3200xf32, #tpu.memory_space<vmem>>) target_semaphore(%arg18 : memref<!tpu.dma_semaphore, #tpu.memory_space<semaphore_mem>>)
    %dma_start3A_34 = tpu.memref_slice %arg4[%mul3A_32] : memref<102400xf32, #tpu.memory_space<hbm>> -> memref<3200xf32, #tpu.memory_space<hbm>>
    %dma_start3A_35 = tpu.memref_slice %arg4[%mul3A_32] : memref<102400xf32, #tpu.memory_space<hbm>> -> memref<3200xf32, #tpu.memory_space<hbm>>
    tpu.enqueue_dma source(%dma_start3A_35 : memref<3200xf32, #tpu.memory_space<hbm>>) target(%arg14 : memref<3200xf32, #tpu.memory_space<vmem>>) target_semaphore(%arg18 : memref<!tpu.dma_semaphore, #tpu.memory_space<semaphore_mem>>)
    %dma_start3A_36 = tpu.memref_slice %arg5[%mul3A_32] : memref<102400xf32, #tpu.memory_space<hbm>> -> memref<3200xf32, #tpu.memory_space<hbm>>
    %dma_start3A_37 = tpu.memref_slice %arg5[%mul3A_32] : memref<102400xf32, #tpu.memory_space<hbm>> -> memref<3200xf32, #tpu.memory_space<hbm>>
    tpu.enqueue_dma source(%dma_start3A_37 : memref<3200xf32, #tpu.memory_space<hbm>>) target(%arg15 : memref<3200xf32, #tpu.memory_space<vmem>>) target_semaphore(%arg18 : memref<!tpu.dma_semaphore, #tpu.memory_space<semaphore_mem>>)
    %dma_start3A_38 = tpu.memref_slice %arg6[%mul3A_32] : memref<102400xf32, #tpu.memory_space<hbm>> -> memref<3200xf32, #tpu.memory_space<hbm>>
    %dma_start3A_39 = tpu.memref_slice %arg6[%mul3A_32] : memref<102400xf32, #tpu.memory_space<hbm>> -> memref<3200xf32, #tpu.memory_space<hbm>>
    tpu.enqueue_dma source(%dma_start3A_39 : memref<3200xf32, #tpu.memory_space<hbm>>) target(%arg16 : memref<3200xf32, #tpu.memory_space<vmem>>) target_semaphore(%arg18 : memref<!tpu.dma_semaphore, #tpu.memory_space<semaphore_mem>>)
    "tpu.region"() ({
      %run_scoped3A = tpu.sem_alloc : memref<!tpu.dma_semaphore, #tpu.memory_space<semaphore_mem>>
      %dma_start3A_65 = tpu.memref_slice %arg2[%mul3A_32] : memref<102400xi32, #tpu.memory_space<hbm>> -> memref<3200xi32, #tpu.memory_space<hbm>>
      %dma_start3A_66 = tpu.memref_slice %arg2[%mul3A_32] : memref<102400xi32, #tpu.memory_space<hbm>> -> memref<3200xi32, #tpu.memory_space<hbm>>
      tpu.enqueue_dma source(%dma_start3A_66 : memref<3200xi32, #tpu.memory_space<hbm>>) target(%arg12 : memref<3200xi32, #tpu.memory_space<vmem>>) target_semaphore(%run_scoped3A : memref<!tpu.dma_semaphore, #tpu.memory_space<semaphore_mem>>)
      %dma_wait3A_67 = tpu.memref_slice %arg2[%mul3A_32] : memref<102400xi32, #tpu.memory_space<hbm>> -> memref<3200xi32, #tpu.memory_space<hbm>>
      %dma_wait3A_68 = tpu.memref_slice %arg2[%mul3A_32] : memref<102400xi32, #tpu.memory_space<hbm>> -> memref<3200xi32, #tpu.memory_space<hbm>>
      tpu.wait_dma2 semaphore(%run_scoped3A : memref<!tpu.dma_semaphore, #tpu.memory_space<semaphore_mem>>) src(%dma_wait3A_68 : memref<3200xi32, #tpu.memory_space<hbm>>) dst(%arg12 : memref<3200xi32, #tpu.memory_space<vmem>>)
      tpu.yield
    }) : () -> ()
    %dma_wait3A = tpu.memref_slice %arg3[%mul3A_32] : memref<102400xf32, #tpu.memory_space<hbm>> -> memref<3200xf32, #tpu.memory_space<hbm>>
    %dma_wait3A_40 = tpu.memref_slice %arg3[%mul3A_32] : memref<102400xf32, #tpu.memory_space<hbm>> -> memref<3200xf32, #tpu.memory_space<hbm>>
    tpu.wait_dma2 semaphore(%arg18 : memref<!tpu.dma_semaphore, #tpu.memory_space<semaphore_mem>>) src(%dma_wait3A_40 : memref<3200xf32, #tpu.memory_space<hbm>>) dst(%arg13 : memref<3200xf32, #tpu.memory_space<vmem>>)
    %dma_wait3A_41 = tpu.memref_slice %arg4[%mul3A_32] : memref<102400xf32, #tpu.memory_space<hbm>> -> memref<3200xf32, #tpu.memory_space<hbm>>
    %dma_wait3A_42 = tpu.memref_slice %arg4[%mul3A_32] : memref<102400xf32, #tpu.memory_space<hbm>> -> memref<3200xf32, #tpu.memory_space<hbm>>
    tpu.wait_dma2 semaphore(%arg18 : memref<!tpu.dma_semaphore, #tpu.memory_space<semaphore_mem>>) src(%dma_wait3A_42 : memref<3200xf32, #tpu.memory_space<hbm>>) dst(%arg14 : memref<3200xf32, #tpu.memory_space<vmem>>)
    %dma_wait3A_43 = tpu.memref_slice %arg5[%mul3A_32] : memref<102400xf32, #tpu.memory_space<hbm>> -> memref<3200xf32, #tpu.memory_space<hbm>>
    %dma_wait3A_44 = tpu.memref_slice %arg5[%mul3A_32] : memref<102400xf32, #tpu.memory_space<hbm>> -> memref<3200xf32, #tpu.memory_space<hbm>>
    tpu.wait_dma2 semaphore(%arg18 : memref<!tpu.dma_semaphore, #tpu.memory_space<semaphore_mem>>) src(%dma_wait3A_44 : memref<3200xf32, #tpu.memory_space<hbm>>) dst(%arg15 : memref<3200xf32, #tpu.memory_space<vmem>>)
    %dma_wait3A_45 = tpu.memref_slice %arg6[%mul3A_32] : memref<102400xf32, #tpu.memory_space<hbm>> -> memref<3200xf32, #tpu.memory_space<hbm>>
    %dma_wait3A_46 = tpu.memref_slice %arg6[%mul3A_32] : memref<102400xf32, #tpu.memory_space<hbm>> -> memref<3200xf32, #tpu.memory_space<hbm>>
    tpu.wait_dma2 semaphore(%arg18 : memref<!tpu.dma_semaphore, #tpu.memory_space<semaphore_mem>>) src(%dma_wait3A_46 : memref<3200xf32, #tpu.memory_space<hbm>>) dst(%arg16 : memref<3200xf32, #tpu.memory_space<vmem>>)
    "tpu.region"() ({
      %run_scoped3A = tpu.sem_alloc : memref<!tpu.dma_semaphore, #tpu.memory_space<semaphore_mem>>
      %dma_start3A_65 = arith.constant 0 : i32
      %dma_start3A_66 = tpu.memref_slice %arg8[%dma_start3A_65] : memref<1024xf32, #tpu.memory_space<vmem_shared>> -> memref<1024xf32, #tpu.memory_space<vmem_shared>>
      tpu.enqueue_indirect_dma source(%arg13 : memref<3200xf32, #tpu.memory_space<vmem>>) target(%dma_start3A_66 : memref<1024xf32, #tpu.memory_space<vmem_shared>>) offsets(%arg12 : memref<3200xi32, #tpu.memory_space<vmem>>) semaphore(%run_scoped3A : memref<!tpu.dma_semaphore, #tpu.memory_space<semaphore_mem>>) {add = true}
      %dma_wait3A_67 = arith.constant 0 : i32
      %dma_wait3A_68 = tpu.memref_slice %arg8[%dma_wait3A_67] : memref<1024xf32, #tpu.memory_space<vmem_shared>> -> memref<1024xf32, #tpu.memory_space<vmem_shared>>
      tpu.wait_indirect_dma semaphore(%run_scoped3A : memref<!tpu.dma_semaphore, #tpu.memory_space<semaphore_mem>>) src(%arg13 : memref<3200xf32, #tpu.memory_space<vmem>>) dst(%dma_wait3A_68 : memref<1024xf32, #tpu.memory_space<vmem_shared>>)
      tpu.yield
    }) : () -> ()
    "tpu.region"() ({
      %run_scoped3A = tpu.sem_alloc : memref<!tpu.dma_semaphore, #tpu.memory_space<semaphore_mem>>
      %dma_start3A_65 = arith.constant 0 : i32
      %dma_start3A_66 = tpu.memref_slice %arg9[%dma_start3A_65] : memref<1024xf32, #tpu.memory_space<vmem_shared>> -> memref<1024xf32, #tpu.memory_space<vmem_shared>>
      tpu.enqueue_indirect_dma source(%arg14 : memref<3200xf32, #tpu.memory_space<vmem>>) target(%dma_start3A_66 : memref<1024xf32, #tpu.memory_space<vmem_shared>>) offsets(%arg12 : memref<3200xi32, #tpu.memory_space<vmem>>) semaphore(%run_scoped3A : memref<!tpu.dma_semaphore, #tpu.memory_space<semaphore_mem>>) {add = true}
      %dma_wait3A_67 = arith.constant 0 : i32
      %dma_wait3A_68 = tpu.memref_slice %arg9[%dma_wait3A_67] : memref<1024xf32, #tpu.memory_space<vmem_shared>> -> memref<1024xf32, #tpu.memory_space<vmem_shared>>
      tpu.wait_indirect_dma semaphore(%run_scoped3A : memref<!tpu.dma_semaphore, #tpu.memory_space<semaphore_mem>>) src(%arg14 : memref<3200xf32, #tpu.memory_space<vmem>>) dst(%dma_wait3A_68 : memref<1024xf32, #tpu.memory_space<vmem_shared>>)
      tpu.yield
    }) : () -> ()
    "tpu.region"() ({
      %run_scoped3A = tpu.sem_alloc : memref<!tpu.dma_semaphore, #tpu.memory_space<semaphore_mem>>
      %dma_start3A_65 = arith.constant 0 : i32
      %dma_start3A_66 = tpu.memref_slice %arg10[%dma_start3A_65] : memref<1024xf32, #tpu.memory_space<vmem_shared>> -> memref<1024xf32, #tpu.memory_space<vmem_shared>>
      tpu.enqueue_indirect_dma source(%arg15 : memref<3200xf32, #tpu.memory_space<vmem>>) target(%dma_start3A_66 : memref<1024xf32, #tpu.memory_space<vmem_shared>>) offsets(%arg12 : memref<3200xi32, #tpu.memory_space<vmem>>) semaphore(%run_scoped3A : memref<!tpu.dma_semaphore, #tpu.memory_space<semaphore_mem>>) {add = true}
      %dma_wait3A_67 = arith.constant 0 : i32
      %dma_wait3A_68 = tpu.memref_slice %arg10[%dma_wait3A_67] : memref<1024xf32, #tpu.memory_space<vmem_shared>> -> memref<1024xf32, #tpu.memory_space<vmem_shared>>
      tpu.wait_indirect_dma semaphore(%run_scoped3A : memref<!tpu.dma_semaphore, #tpu.memory_space<semaphore_mem>>) src(%arg15 : memref<3200xf32, #tpu.memory_space<vmem>>) dst(%dma_wait3A_68 : memref<1024xf32, #tpu.memory_space<vmem_shared>>)
      tpu.yield
    }) : () -> ()
    "tpu.region"() ({
      %run_scoped3A = tpu.sem_alloc : memref<!tpu.dma_semaphore, #tpu.memory_space<semaphore_mem>>
      %dma_start3A_65 = arith.constant 0 : i32
      %dma_start3A_66 = tpu.memref_slice %arg11[%dma_start3A_65] : memref<1024xf32, #tpu.memory_space<vmem_shared>> -> memref<1024xf32, #tpu.memory_space<vmem_shared>>
      tpu.enqueue_indirect_dma source(%arg16 : memref<3200xf32, #tpu.memory_space<vmem>>) target(%dma_start3A_66 : memref<1024xf32, #tpu.memory_space<vmem_shared>>) offsets(%arg12 : memref<3200xi32, #tpu.memory_space<vmem>>) semaphore(%run_scoped3A : memref<!tpu.dma_semaphore, #tpu.memory_space<semaphore_mem>>) {add = true}
      %dma_wait3A_67 = arith.constant 0 : i32
      %dma_wait3A_68 = tpu.memref_slice %arg11[%dma_wait3A_67] : memref<1024xf32, #tpu.memory_space<vmem_shared>> -> memref<1024xf32, #tpu.memory_space<vmem_shared>>
      tpu.wait_indirect_dma semaphore(%run_scoped3A : memref<!tpu.dma_semaphore, #tpu.memory_space<semaphore_mem>>) src(%arg16 : memref<3200xf32, #tpu.memory_space<vmem>>) dst(%dma_wait3A_68 : memref<1024xf32, #tpu.memory_space<vmem_shared>>)
      tpu.yield
    }) : () -> ()
    %barrier3A_47 = arith.constant 0 : index
    tpu.barrier barrier_id(%barrier3A_47)
    %eq3A = arith.constant 0 : i32
    %eq3A_48 = arith.cmpi eq, %arg1, %eq3A : i32
    %convert_element_type3A = arith.extui %eq3A_48 : i1 to i32
    %cond3A = arith.constant 0 : i32
    %cond3A_49 = arith.cmpi ne, %convert_element_type3A, %cond3A : i32
    scf.if %cond3A_49 {
      %run_scoped3A = arith.constant 0 : i32
      "tpu.region"() ({
        %run_scoped3A_65 = tpu.sem_alloc : memref<!tpu.dma_semaphore, #tpu.memory_space<semaphore_mem>>
        %dma_start3A_66 = arith.constant 0 : i32
        %dma_start3A_67 = tpu.memref_slice %arg7[%arg0, %run_scoped3A, %dma_start3A_66] : memref<2x4x1024xf32, #tpu.memory_space<hbm>> -> memref<1x1x1024xf32, #tpu.memory_space<hbm>>
        %dma_start3A_68 = tpu.memref_squeeze %dma_start3A_67 : memref<1x1x1024xf32, #tpu.memory_space<hbm>> -> memref<1024xf32, #tpu.memory_space<hbm>>
        tpu.enqueue_dma source(%arg8 : memref<1024xf32, #tpu.memory_space<vmem_shared>>) target(%dma_start3A_68 : memref<1024xf32, #tpu.memory_space<hbm>>) target_semaphore(%run_scoped3A_65 : memref<!tpu.dma_semaphore, #tpu.memory_space<semaphore_mem>>)
        %dma_wait3A_69 = arith.constant 0 : i32
        %dma_wait3A_70 = tpu.memref_slice %arg7[%arg0, %run_scoped3A, %dma_wait3A_69] : memref<2x4x1024xf32, #tpu.memory_space<hbm>> -> memref<1x1x1024xf32, #tpu.memory_space<hbm>>
        %dma_wait3A_71 = tpu.memref_squeeze %dma_wait3A_70 : memref<1x1x1024xf32, #tpu.memory_space<hbm>> -> memref<1024xf32, #tpu.memory_space<hbm>>
        tpu.wait_dma2 semaphore(%run_scoped3A_65 : memref<!tpu.dma_semaphore, #tpu.memory_space<semaphore_mem>>) src(%arg8 : memref<1024xf32, #tpu.memory_space<vmem_shared>>) dst(%dma_wait3A_71 : memref<1024xf32, #tpu.memory_space<hbm>>)
        tpu.yield
      }) : () -> ()
    } else {
    }
    %eq3A_50 = arith.constant 1 : i32
    %eq3A_51 = arith.cmpi eq, %arg1, %eq3A_50 : i32
    %convert_element_type3A_52 = arith.extui %eq3A_51 : i1 to i32
    %cond3A_53 = arith.constant 0 : i32
    %cond3A_54 = arith.cmpi ne, %convert_element_type3A_52, %cond3A_53 : i32
    scf.if %cond3A_54 {
      %run_scoped3A = arith.constant 1 : i32
      "tpu.region"() ({
        %run_scoped3A_65 = tpu.sem_alloc : memref<!tpu.dma_semaphore, #tpu.memory_space<semaphore_mem>>
        %dma_start3A_66 = arith.constant 0 : i32
        %dma_start3A_67 = tpu.memref_slice %arg7[%arg0, %run_scoped3A, %dma_start3A_66] : memref<2x4x1024xf32, #tpu.memory_space<hbm>> -> memref<1x1x1024xf32, #tpu.memory_space<hbm>>
        %dma_start3A_68 = tpu.memref_squeeze %dma_start3A_67 : memref<1x1x1024xf32, #tpu.memory_space<hbm>> -> memref<1024xf32, #tpu.memory_space<hbm>>
        tpu.enqueue_dma source(%arg9 : memref<1024xf32, #tpu.memory_space<vmem_shared>>) target(%dma_start3A_68 : memref<1024xf32, #tpu.memory_space<hbm>>) target_semaphore(%run_scoped3A_65 : memref<!tpu.dma_semaphore, #tpu.memory_space<semaphore_mem>>)
        %dma_wait3A_69 = arith.constant 0 : i32
        %dma_wait3A_70 = tpu.memref_slice %arg7[%arg0, %run_scoped3A, %dma_wait3A_69] : memref<2x4x1024xf32, #tpu.memory_space<hbm>> -> memref<1x1x1024xf32, #tpu.memory_space<hbm>>
        %dma_wait3A_71 = tpu.memref_squeeze %dma_wait3A_70 : memref<1x1x1024xf32, #tpu.memory_space<hbm>> -> memref<1024xf32, #tpu.memory_space<hbm>>
        tpu.wait_dma2 semaphore(%run_scoped3A_65 : memref<!tpu.dma_semaphore, #tpu.memory_space<semaphore_mem>>) src(%arg9 : memref<1024xf32, #tpu.memory_space<vmem_shared>>) dst(%dma_wait3A_71 : memref<1024xf32, #tpu.memory_space<hbm>>)
        tpu.yield
      }) : () -> ()
    } else {
    }
    %eq3A_55 = arith.constant 2 : i32
    %eq3A_56 = arith.cmpi eq, %arg1, %eq3A_55 : i32
    %convert_element_type3A_57 = arith.extui %eq3A_56 : i1 to i32
    %cond3A_58 = arith.constant 0 : i32
    %cond3A_59 = arith.cmpi ne, %convert_element_type3A_57, %cond3A_58 : i32
    scf.if %cond3A_59 {
      %run_scoped3A = arith.constant 2 : i32
      "tpu.region"() ({
        %run_scoped3A_65 = tpu.sem_alloc : memref<!tpu.dma_semaphore, #tpu.memory_space<semaphore_mem>>
        %dma_start3A_66 = arith.constant 0 : i32
        %dma_start3A_67 = tpu.memref_slice %arg7[%arg0, %run_scoped3A, %dma_start3A_66] : memref<2x4x1024xf32, #tpu.memory_space<hbm>> -> memref<1x1x1024xf32, #tpu.memory_space<hbm>>
        %dma_start3A_68 = tpu.memref_squeeze %dma_start3A_67 : memref<1x1x1024xf32, #tpu.memory_space<hbm>> -> memref<1024xf32, #tpu.memory_space<hbm>>
        tpu.enqueue_dma source(%arg10 : memref<1024xf32, #tpu.memory_space<vmem_shared>>) target(%dma_start3A_68 : memref<1024xf32, #tpu.memory_space<hbm>>) target_semaphore(%run_scoped3A_65 : memref<!tpu.dma_semaphore, #tpu.memory_space<semaphore_mem>>)
        %dma_wait3A_69 = arith.constant 0 : i32
        %dma_wait3A_70 = tpu.memref_slice %arg7[%arg0, %run_scoped3A, %dma_wait3A_69] : memref<2x4x1024xf32, #tpu.memory_space<hbm>> -> memref<1x1x1024xf32, #tpu.memory_space<hbm>>
        %dma_wait3A_71 = tpu.memref_squeeze %dma_wait3A_70 : memref<1x1x1024xf32, #tpu.memory_space<hbm>> -> memref<1024xf32, #tpu.memory_space<hbm>>
        tpu.wait_dma2 semaphore(%run_scoped3A_65 : memref<!tpu.dma_semaphore, #tpu.memory_space<semaphore_mem>>) src(%arg10 : memref<1024xf32, #tpu.memory_space<vmem_shared>>) dst(%dma_wait3A_71 : memref<1024xf32, #tpu.memory_space<hbm>>)
        tpu.yield
      }) : () -> ()
    } else {
    }
    %eq3A_60 = arith.constant 3 : i32
    %eq3A_61 = arith.cmpi eq, %arg1, %eq3A_60 : i32
    %convert_element_type3A_62 = arith.extui %eq3A_61 : i1 to i32
    %cond3A_63 = arith.constant 0 : i32
    %cond3A_64 = arith.cmpi ne, %convert_element_type3A_62, %cond3A_63 : i32
    scf.if %cond3A_64 {
      %run_scoped3A = arith.constant 3 : i32
      "tpu.region"() ({
        %run_scoped3A_65 = tpu.sem_alloc : memref<!tpu.dma_semaphore, #tpu.memory_space<semaphore_mem>>
        %dma_start3A_66 = arith.constant 0 : i32
        %dma_start3A_67 = tpu.memref_slice %arg7[%arg0, %run_scoped3A, %dma_start3A_66] : memref<2x4x1024xf32, #tpu.memory_space<hbm>> -> memref<1x1x1024xf32, #tpu.memory_space<hbm>>
        %dma_start3A_68 = tpu.memref_squeeze %dma_start3A_67 : memref<1x1x1024xf32, #tpu.memory_space<hbm>> -> memref<1024xf32, #tpu.memory_space<hbm>>
        tpu.enqueue_dma source(%arg11 : memref<1024xf32, #tpu.memory_space<vmem_shared>>) target(%dma_start3A_68 : memref<1024xf32, #tpu.memory_space<hbm>>) target_semaphore(%run_scoped3A_65 : memref<!tpu.dma_semaphore, #tpu.memory_space<semaphore_mem>>)
        %dma_wait3A_69 = arith.constant 0 : i32
        %dma_wait3A_70 = tpu.memref_slice %arg7[%arg0, %run_scoped3A, %dma_wait3A_69] : memref<2x4x1024xf32, #tpu.memory_space<hbm>> -> memref<1x1x1024xf32, #tpu.memory_space<hbm>>
        %dma_wait3A_71 = tpu.memref_squeeze %dma_wait3A_70 : memref<1x1x1024xf32, #tpu.memory_space<hbm>> -> memref<1024xf32, #tpu.memory_space<hbm>>
        tpu.wait_dma2 semaphore(%run_scoped3A_65 : memref<!tpu.dma_semaphore, #tpu.memory_space<semaphore_mem>>) src(%arg11 : memref<1024xf32, #tpu.memory_space<vmem_shared>>) dst(%dma_wait3A_71 : memref<1024xf32, #tpu.memory_space<hbm>>)
        tpu.yield
      }) : () -> ()
    } else {
    }
    return
  }
}

module attributes {stable_mosaic.version = 14 : i64} {
  func.func @_gauss_body(%arg0: i32, %arg1: memref<16xf32, #tpu.memory_space<smem>>, %arg2: memref<30x32x128xbf16, #tpu.memory_space<vmem>>, %arg3: memref<8x32x128xf32, #tpu.memory_space<vmem>>, %arg4: memref<32x128xi32, #tpu.memory_space<vmem>>, %arg5: memref<32x128xf32, #tpu.memory_space<vmem>>, %arg6: memref<32x128xf32, #tpu.memory_space<vmem>>, %arg7: memref<32x128xf32, #tpu.memory_space<vmem>>, %arg8: memref<32x128xf32, #tpu.memory_space<vmem>>) attributes {dimension_semantics = [#tpu.dimension_semantics<arbitrary>], iteration_bounds = array<i64: 25>, scalar_prefetch = 0 : i64, scratch_operands = 0 : i64, tpu.core_type = #tpu.core_type<tc>, window_params = [{transform_indices = @transform_0, window_bounds = array<i64: 16>}, {transform_indices = @transform_1, window_bounds = array<i64: 30, 32, 128>}, {transform_indices = @transform_2, window_bounds = array<i64: 8, 32, 128>}, {transform_indices = @transform_3, window_bounds = array<i64: 32, 128>}, {transform_indices = @transform_4, window_bounds = array<i64: 32, 128>}, {transform_indices = @transform_5, window_bounds = array<i64: 32, 128>}, {transform_indices = @transform_6, window_bounds = array<i64: 32, 128>}, {transform_indices = @transform_7, window_bounds = array<i64: 32, 128>}]} {
    %iota3A = tpu.iota {dimensions = array<i32: 0>} : vector<32x128xi32>
    %mul3A = arith.constant 128 : i32
    %mul3A_0 = vector.broadcast %mul3A : i32 to vector<32x128xi32>
    %mul3A_1 = arith.muli %iota3A, %mul3A_0 : vector<32x128xi32>
    %iota3A_2 = tpu.iota {dimensions = array<i32: 1>} : vector<32x128xi32>
    %add3A = arith.addi %mul3A_1, %iota3A_2 : vector<32x128xi32>
    %mul3A_3 = arith.constant 4096 : i32
    %mul3A_4 = arith.muli %arg0, %mul3A_3 : i32
    %add3A_5 = vector.broadcast %mul3A_4 : i32 to vector<32x128xi32>
    %add3A_6 = arith.addi %add3A_5, %add3A : vector<32x128xi32>
    %lt3A = arith.constant 100000 : i32
    %lt3A_7 = vector.broadcast %lt3A : i32 to vector<32x128xi32>
    %lt3A_8 = arith.cmpi slt, %add3A_6, %lt3A_7 : vector<32x128xi32>
    %get3A = arith.constant 0 : index
    %get3A_9 = arith.constant 0 : index
    %get3A_10 = arith.constant 0 : index
    %get3A_11 = vector.load %arg2[%get3A, %get3A_9, %get3A_10] : memref<30x32x128xbf16, #tpu.memory_space<vmem>>, vector<1x32x128xbf16>
    %get3A_12 = vector.shape_cast %get3A_11 : vector<1x32x128xbf16> to vector<32x128xbf16>
    %convert_element_type3A = arith.extf %get3A_12 : vector<32x128xbf16> to vector<32x128xf32>
    %get3A_13 = arith.constant 1 : index
    %get3A_14 = arith.constant 0 : index
    %get3A_15 = arith.constant 0 : index
    %get3A_16 = vector.load %arg2[%get3A_13, %get3A_14, %get3A_15] : memref<30x32x128xbf16, #tpu.memory_space<vmem>>, vector<1x32x128xbf16>
    %get3A_17 = vector.shape_cast %get3A_16 : vector<1x32x128xbf16> to vector<32x128xbf16>
    %convert_element_type3A_18 = arith.extf %get3A_17 : vector<32x128xbf16> to vector<32x128xf32>
    %get3A_19 = arith.constant 2 : index
    %get3A_20 = arith.constant 0 : index
    %get3A_21 = arith.constant 0 : index
    %get3A_22 = vector.load %arg2[%get3A_19, %get3A_20, %get3A_21] : memref<30x32x128xbf16, #tpu.memory_space<vmem>>, vector<1x32x128xbf16>
    %get3A_23 = vector.shape_cast %get3A_22 : vector<1x32x128xbf16> to vector<32x128xbf16>
    %convert_element_type3A_24 = arith.extf %get3A_23 : vector<32x128xbf16> to vector<32x128xf32>
    %get3A_25 = arith.constant 0 : index
    %get3A_26 = memref.load %arg1[%get3A_25] : memref<16xf32, #tpu.memory_space<smem>>
    %convert_element_type3A_27 = arith.truncf %get3A_26 : f32 to bf16
    %convert_element_type3A_28 = arith.extf %convert_element_type3A_27 : bf16 to f32
    %mul3A_29 = vector.broadcast %convert_element_type3A_28 : f32 to vector<32x128xf32>
    %mul3A_30 = arith.mulf %mul3A_29, %convert_element_type3A : vector<32x128xf32>
    %get3A_31 = arith.constant 1 : index
    %get3A_32 = memref.load %arg1[%get3A_31] : memref<16xf32, #tpu.memory_space<smem>>
    %convert_element_type3A_33 = arith.truncf %get3A_32 : f32 to bf16
    %convert_element_type3A_34 = arith.extf %convert_element_type3A_33 : bf16 to f32
    %mul3A_35 = vector.broadcast %convert_element_type3A_34 : f32 to vector<32x128xf32>
    %mul3A_36 = arith.mulf %mul3A_35, %convert_element_type3A_18 : vector<32x128xf32>
    %add3A_37 = arith.addf %mul3A_30, %mul3A_36 : vector<32x128xf32>
    %get3A_38 = arith.constant 2 : index
    %get3A_39 = memref.load %arg1[%get3A_38] : memref<16xf32, #tpu.memory_space<smem>>
    %convert_element_type3A_40 = arith.truncf %get3A_39 : f32 to bf16
    %convert_element_type3A_41 = arith.extf %convert_element_type3A_40 : bf16 to f32
    %mul3A_42 = vector.broadcast %convert_element_type3A_41 : f32 to vector<32x128xf32>
    %mul3A_43 = arith.mulf %mul3A_42, %convert_element_type3A_24 : vector<32x128xf32>
    %add3A_44 = arith.addf %add3A_37, %mul3A_43 : vector<32x128xf32>
    %get3A_45 = arith.constant 9 : index
    %get3A_46 = memref.load %arg1[%get3A_45] : memref<16xf32, #tpu.memory_space<smem>>
    %add3A_47 = vector.broadcast %get3A_46 : f32 to vector<32x128xf32>
    %add3A_48 = arith.addf %add3A_44, %add3A_47 : vector<32x128xf32>
    %get3A_49 = arith.constant 3 : index
    %get3A_50 = memref.load %arg1[%get3A_49] : memref<16xf32, #tpu.memory_space<smem>>
    %convert_element_type3A_51 = arith.truncf %get3A_50 : f32 to bf16
    %convert_element_type3A_52 = arith.extf %convert_element_type3A_51 : bf16 to f32
    %mul3A_53 = vector.broadcast %convert_element_type3A_52 : f32 to vector<32x128xf32>
    %mul3A_54 = arith.mulf %mul3A_53, %convert_element_type3A : vector<32x128xf32>
    %get3A_55 = arith.constant 4 : index
    %get3A_56 = memref.load %arg1[%get3A_55] : memref<16xf32, #tpu.memory_space<smem>>
    %convert_element_type3A_57 = arith.truncf %get3A_56 : f32 to bf16
    %convert_element_type3A_58 = arith.extf %convert_element_type3A_57 : bf16 to f32
    %mul3A_59 = vector.broadcast %convert_element_type3A_58 : f32 to vector<32x128xf32>
    %mul3A_60 = arith.mulf %mul3A_59, %convert_element_type3A_18 : vector<32x128xf32>
    %add3A_61 = arith.addf %mul3A_54, %mul3A_60 : vector<32x128xf32>
    %get3A_62 = arith.constant 5 : index
    %get3A_63 = memref.load %arg1[%get3A_62] : memref<16xf32, #tpu.memory_space<smem>>
    %convert_element_type3A_64 = arith.truncf %get3A_63 : f32 to bf16
    %convert_element_type3A_65 = arith.extf %convert_element_type3A_64 : bf16 to f32
    %mul3A_66 = vector.broadcast %convert_element_type3A_65 : f32 to vector<32x128xf32>
    %mul3A_67 = arith.mulf %mul3A_66, %convert_element_type3A_24 : vector<32x128xf32>
    %add3A_68 = arith.addf %add3A_61, %mul3A_67 : vector<32x128xf32>
    %get3A_69 = arith.constant 10 : index
    %get3A_70 = memref.load %arg1[%get3A_69] : memref<16xf32, #tpu.memory_space<smem>>
    %add3A_71 = vector.broadcast %get3A_70 : f32 to vector<32x128xf32>
    %add3A_72 = arith.addf %add3A_68, %add3A_71 : vector<32x128xf32>
    %get3A_73 = arith.constant 6 : index
    %get3A_74 = memref.load %arg1[%get3A_73] : memref<16xf32, #tpu.memory_space<smem>>
    %convert_element_type3A_75 = arith.truncf %get3A_74 : f32 to bf16
    %convert_element_type3A_76 = arith.extf %convert_element_type3A_75 : bf16 to f32
    %mul3A_77 = vector.broadcast %convert_element_type3A_76 : f32 to vector<32x128xf32>
    %mul3A_78 = arith.mulf %mul3A_77, %convert_element_type3A : vector<32x128xf32>
    %get3A_79 = arith.constant 7 : index
    %get3A_80 = memref.load %arg1[%get3A_79] : memref<16xf32, #tpu.memory_space<smem>>
    %convert_element_type3A_81 = arith.truncf %get3A_80 : f32 to bf16
    %convert_element_type3A_82 = arith.extf %convert_element_type3A_81 : bf16 to f32
    %mul3A_83 = vector.broadcast %convert_element_type3A_82 : f32 to vector<32x128xf32>
    %mul3A_84 = arith.mulf %mul3A_83, %convert_element_type3A_18 : vector<32x128xf32>
    %add3A_85 = arith.addf %mul3A_78, %mul3A_84 : vector<32x128xf32>
    %get3A_86 = arith.constant 8 : index
    %get3A_87 = memref.load %arg1[%get3A_86] : memref<16xf32, #tpu.memory_space<smem>>
    %convert_element_type3A_88 = arith.truncf %get3A_87 : f32 to bf16
    %convert_element_type3A_89 = arith.extf %convert_element_type3A_88 : bf16 to f32
    %mul3A_90 = vector.broadcast %convert_element_type3A_89 : f32 to vector<32x128xf32>
    %mul3A_91 = arith.mulf %mul3A_90, %convert_element_type3A_24 : vector<32x128xf32>
    %add3A_92 = arith.addf %add3A_85, %mul3A_91 : vector<32x128xf32>
    %get3A_93 = arith.constant 11 : index
    %get3A_94 = memref.load %arg1[%get3A_93] : memref<16xf32, #tpu.memory_space<smem>>
    %add3A_95 = vector.broadcast %get3A_94 : f32 to vector<32x128xf32>
    %add3A_96 = arith.addf %add3A_92, %add3A_95 : vector<32x128xf32>
    %max3A = arith.constant 9.99999974E-5 : f32
    %max3A_97 = vector.broadcast %max3A : f32 to vector<32x128xf32>
    %max3A_98 = arith.maximumf %add3A_96, %max3A_97 : vector<32x128xf32>
    %mul3A_99 = arith.constant 5.000000e+02 : f32
    %mul3A_100 = vector.broadcast %mul3A_99 : f32 to vector<32x128xf32>
    %mul3A_101 = arith.mulf %mul3A_100, %add3A_48 : vector<32x128xf32>
    %div3A = arith.divf %mul3A_101, %max3A_98 : vector<32x128xf32>
    %add3A_102 = arith.constant 2.560000e+02 : f32
    %add3A_103 = vector.broadcast %add3A_102 : f32 to vector<32x128xf32>
    %add3A_104 = arith.addf %div3A, %add3A_103 : vector<32x128xf32>
    %mul3A_105 = arith.constant 5.000000e+02 : f32
    %mul3A_106 = vector.broadcast %mul3A_105 : f32 to vector<32x128xf32>
    %mul3A_107 = arith.mulf %mul3A_106, %add3A_72 : vector<32x128xf32>
    %div3A_108 = arith.divf %mul3A_107, %max3A_98 : vector<32x128xf32>
    %add3A_109 = arith.constant 2.560000e+02 : f32
    %add3A_110 = vector.broadcast %add3A_109 : f32 to vector<32x128xf32>
    %add3A_111 = arith.addf %div3A_108, %add3A_110 : vector<32x128xf32>
    %gt3A = arith.constant 2.000000e-01 : f32
    %gt3A_112 = vector.broadcast %gt3A : f32 to vector<32x128xf32>
    %gt3A_113 = arith.cmpf ogt, %add3A_96, %gt3A_112 : vector<32x128xf32>
    %ge3A = arith.constant 0.000000e+00 : f32
    %ge3A_114 = vector.broadcast %ge3A : f32 to vector<32x128xf32>
    %ge3A_115 = arith.cmpf oge, %add3A_104, %ge3A_114 : vector<32x128xf32>
    %and3A = arith.andi %gt3A_113, %ge3A_115 : vector<32x128xi1>
    %lt3A_116 = arith.constant 5.120000e+02 : f32
    %lt3A_117 = vector.broadcast %lt3A_116 : f32 to vector<32x128xf32>
    %lt3A_118 = arith.cmpf olt, %add3A_104, %lt3A_117 : vector<32x128xf32>
    %and3A_119 = arith.andi %and3A, %lt3A_118 : vector<32x128xi1>
    %ge3A_120 = arith.constant 0.000000e+00 : f32
    %ge3A_121 = vector.broadcast %ge3A_120 : f32 to vector<32x128xf32>
    %ge3A_122 = arith.cmpf oge, %add3A_111, %ge3A_121 : vector<32x128xf32>
    %and3A_123 = arith.andi %and3A_119, %ge3A_122 : vector<32x128xi1>
    %lt3A_124 = arith.constant 5.120000e+02 : f32
    %lt3A_125 = vector.broadcast %lt3A_124 : f32 to vector<32x128xf32>
    %lt3A_126 = arith.cmpf olt, %add3A_111, %lt3A_125 : vector<32x128xf32>
    %and3A_127 = arith.andi %and3A_123, %lt3A_126 : vector<32x128xi1>
    %get3A_128 = arith.constant 0 : index
    %get3A_129 = arith.constant 0 : index
    %get3A_130 = arith.constant 0 : index
    %get3A_131 = vector.load %arg3[%get3A_128, %get3A_129, %get3A_130] : memref<8x32x128xf32, #tpu.memory_space<vmem>>, vector<1x32x128xf32>
    %get3A_132 = vector.shape_cast %get3A_131 : vector<1x32x128xf32> to vector<32x128xf32>
    %get3A_133 = arith.constant 1 : index
    %get3A_134 = arith.constant 0 : index
    %get3A_135 = arith.constant 0 : index
    %get3A_136 = vector.load %arg3[%get3A_133, %get3A_134, %get3A_135] : memref<8x32x128xf32, #tpu.memory_space<vmem>>, vector<1x32x128xf32>
    %get3A_137 = vector.shape_cast %get3A_136 : vector<1x32x128xf32> to vector<32x128xf32>
    %get3A_138 = arith.constant 2 : index
    %get3A_139 = arith.constant 0 : index
    %get3A_140 = arith.constant 0 : index
    %get3A_141 = vector.load %arg3[%get3A_138, %get3A_139, %get3A_140] : memref<8x32x128xf32, #tpu.memory_space<vmem>>, vector<1x32x128xf32>
    %get3A_142 = vector.shape_cast %get3A_141 : vector<1x32x128xf32> to vector<32x128xf32>
    %get3A_143 = arith.constant 3 : index
    %get3A_144 = arith.constant 0 : index
    %get3A_145 = arith.constant 0 : index
    %get3A_146 = vector.load %arg3[%get3A_143, %get3A_144, %get3A_145] : memref<8x32x128xf32, #tpu.memory_space<vmem>>, vector<1x32x128xf32>
    %get3A_147 = vector.shape_cast %get3A_146 : vector<1x32x128xf32> to vector<32x128xf32>
    %mul3A_148 = arith.mulf %get3A_132, %get3A_132 : vector<32x128xf32>
    %mul3A_149 = arith.mulf %get3A_137, %get3A_137 : vector<32x128xf32>
    %add3A_150 = arith.addf %mul3A_148, %mul3A_149 : vector<32x128xf32>
    %mul3A_151 = arith.mulf %get3A_142, %get3A_142 : vector<32x128xf32>
    %add3A_152 = arith.addf %add3A_150, %mul3A_151 : vector<32x128xf32>
    %mul3A_153 = arith.mulf %get3A_147, %get3A_147 : vector<32x128xf32>
    %add3A_154 = arith.addf %add3A_152, %mul3A_153 : vector<32x128xf32>
    %sqrt3A = math.sqrt %add3A_154 : vector<32x128xf32>
    %add3A_155 = arith.constant 9.99999993E-9 : f32
    %add3A_156 = vector.broadcast %add3A_155 : f32 to vector<32x128xf32>
    %add3A_157 = arith.addf %sqrt3A, %add3A_156 : vector<32x128xf32>
    %div3A_158 = arith.divf %get3A_132, %add3A_157 : vector<32x128xf32>
    %div3A_159 = arith.divf %get3A_137, %add3A_157 : vector<32x128xf32>
    %div3A_160 = arith.divf %get3A_142, %add3A_157 : vector<32x128xf32>
    %div3A_161 = arith.divf %get3A_147, %add3A_157 : vector<32x128xf32>
    %mul3A_162 = arith.mulf %div3A_160, %div3A_160 : vector<32x128xf32>
    %mul3A_163 = arith.mulf %div3A_161, %div3A_161 : vector<32x128xf32>
    %add3A_164 = arith.addf %mul3A_162, %mul3A_163 : vector<32x128xf32>
    %mul3A_165 = arith.constant 2.000000e+00 : f32
    %mul3A_166 = vector.broadcast %mul3A_165 : f32 to vector<32x128xf32>
    %mul3A_167 = arith.mulf %mul3A_166, %add3A_164 : vector<32x128xf32>
    %sub3A = arith.constant 1.000000e+00 : f32
    %sub3A_168 = vector.broadcast %sub3A : f32 to vector<32x128xf32>
    %sub3A_169 = arith.subf %sub3A_168, %mul3A_167 : vector<32x128xf32>
    %mul3A_170 = arith.mulf %div3A_159, %div3A_160 : vector<32x128xf32>
    %mul3A_171 = arith.mulf %div3A_158, %div3A_161 : vector<32x128xf32>
    %sub3A_172 = arith.subf %mul3A_170, %mul3A_171 : vector<32x128xf32>
    %mul3A_173 = arith.constant 2.000000e+00 : f32
    %mul3A_174 = vector.broadcast %mul3A_173 : f32 to vector<32x128xf32>
    %mul3A_175 = arith.mulf %mul3A_174, %sub3A_172 : vector<32x128xf32>
    %mul3A_176 = arith.mulf %div3A_159, %div3A_161 : vector<32x128xf32>
    %mul3A_177 = arith.mulf %div3A_158, %div3A_160 : vector<32x128xf32>
    %add3A_178 = arith.addf %mul3A_176, %mul3A_177 : vector<32x128xf32>
    %mul3A_179 = arith.constant 2.000000e+00 : f32
    %mul3A_180 = vector.broadcast %mul3A_179 : f32 to vector<32x128xf32>
    %mul3A_181 = arith.mulf %mul3A_180, %add3A_178 : vector<32x128xf32>
    %mul3A_182 = arith.mulf %div3A_159, %div3A_160 : vector<32x128xf32>
    %mul3A_183 = arith.mulf %div3A_158, %div3A_161 : vector<32x128xf32>
    %add3A_184 = arith.addf %mul3A_182, %mul3A_183 : vector<32x128xf32>
    %mul3A_185 = arith.constant 2.000000e+00 : f32
    %mul3A_186 = vector.broadcast %mul3A_185 : f32 to vector<32x128xf32>
    %mul3A_187 = arith.mulf %mul3A_186, %add3A_184 : vector<32x128xf32>
    %mul3A_188 = arith.mulf %div3A_159, %div3A_159 : vector<32x128xf32>
    %mul3A_189 = arith.mulf %div3A_161, %div3A_161 : vector<32x128xf32>
    %add3A_190 = arith.addf %mul3A_188, %mul3A_189 : vector<32x128xf32>
    %mul3A_191 = arith.constant 2.000000e+00 : f32
    %mul3A_192 = vector.broadcast %mul3A_191 : f32 to vector<32x128xf32>
    %mul3A_193 = arith.mulf %mul3A_192, %add3A_190 : vector<32x128xf32>
    %sub3A_194 = arith.constant 1.000000e+00 : f32
    %sub3A_195 = vector.broadcast %sub3A_194 : f32 to vector<32x128xf32>
    %sub3A_196 = arith.subf %sub3A_195, %mul3A_193 : vector<32x128xf32>
    %mul3A_197 = arith.mulf %div3A_160, %div3A_161 : vector<32x128xf32>
    %mul3A_198 = arith.mulf %div3A_158, %div3A_159 : vector<32x128xf32>
    %sub3A_199 = arith.subf %mul3A_197, %mul3A_198 : vector<32x128xf32>
    %mul3A_200 = arith.constant 2.000000e+00 : f32
    %mul3A_201 = vector.broadcast %mul3A_200 : f32 to vector<32x128xf32>
    %mul3A_202 = arith.mulf %mul3A_201, %sub3A_199 : vector<32x128xf32>
    %mul3A_203 = arith.mulf %div3A_159, %div3A_161 : vector<32x128xf32>
    %mul3A_204 = arith.mulf %div3A_158, %div3A_160 : vector<32x128xf32>
    %sub3A_205 = arith.subf %mul3A_203, %mul3A_204 : vector<32x128xf32>
    %mul3A_206 = arith.constant 2.000000e+00 : f32
    %mul3A_207 = vector.broadcast %mul3A_206 : f32 to vector<32x128xf32>
    %mul3A_208 = arith.mulf %mul3A_207, %sub3A_205 : vector<32x128xf32>
    %mul3A_209 = arith.mulf %div3A_160, %div3A_161 : vector<32x128xf32>
    %mul3A_210 = arith.mulf %div3A_158, %div3A_159 : vector<32x128xf32>
    %add3A_211 = arith.addf %mul3A_209, %mul3A_210 : vector<32x128xf32>
    %mul3A_212 = arith.constant 2.000000e+00 : f32
    %mul3A_213 = vector.broadcast %mul3A_212 : f32 to vector<32x128xf32>
    %mul3A_214 = arith.mulf %mul3A_213, %add3A_211 : vector<32x128xf32>
    %mul3A_215 = arith.mulf %div3A_159, %div3A_159 : vector<32x128xf32>
    %mul3A_216 = arith.mulf %div3A_160, %div3A_160 : vector<32x128xf32>
    %add3A_217 = arith.addf %mul3A_215, %mul3A_216 : vector<32x128xf32>
    %mul3A_218 = arith.constant 2.000000e+00 : f32
    %mul3A_219 = vector.broadcast %mul3A_218 : f32 to vector<32x128xf32>
    %mul3A_220 = arith.mulf %mul3A_219, %add3A_217 : vector<32x128xf32>
    %sub3A_221 = arith.constant 1.000000e+00 : f32
    %sub3A_222 = vector.broadcast %sub3A_221 : f32 to vector<32x128xf32>
    %sub3A_223 = arith.subf %sub3A_222, %mul3A_220 : vector<32x128xf32>
    %get3A_224 = arith.constant 4 : index
    %get3A_225 = arith.constant 0 : index
    %get3A_226 = arith.constant 0 : index
    %get3A_227 = vector.load %arg3[%get3A_224, %get3A_225, %get3A_226] : memref<8x32x128xf32, #tpu.memory_space<vmem>>, vector<1x32x128xf32>
    %get3A_228 = vector.shape_cast %get3A_227 : vector<1x32x128xf32> to vector<32x128xf32>
    %exp3A = math.exp %get3A_228 : vector<32x128xf32>
    %get3A_229 = arith.constant 5 : index
    %get3A_230 = arith.constant 0 : index
    %get3A_231 = arith.constant 0 : index
    %get3A_232 = vector.load %arg3[%get3A_229, %get3A_230, %get3A_231] : memref<8x32x128xf32, #tpu.memory_space<vmem>>, vector<1x32x128xf32>
    %get3A_233 = vector.shape_cast %get3A_232 : vector<1x32x128xf32> to vector<32x128xf32>
    %exp3A_234 = math.exp %get3A_233 : vector<32x128xf32>
    %get3A_235 = arith.constant 6 : index
    %get3A_236 = arith.constant 0 : index
    %get3A_237 = arith.constant 0 : index
    %get3A_238 = vector.load %arg3[%get3A_235, %get3A_236, %get3A_237] : memref<8x32x128xf32, #tpu.memory_space<vmem>>, vector<1x32x128xf32>
    %get3A_239 = vector.shape_cast %get3A_238 : vector<1x32x128xf32> to vector<32x128xf32>
    %exp3A_240 = math.exp %get3A_239 : vector<32x128xf32>
    %mul3A_241 = arith.mulf %sub3A_169, %exp3A : vector<32x128xf32>
    %convert_element_type3A_242 = arith.truncf %mul3A_241 : vector<32x128xf32> to vector<32x128xbf16>
    %convert_element_type3A_243 = arith.extf %convert_element_type3A_242 : vector<32x128xbf16> to vector<32x128xf32>
    %mul3A_244 = arith.mulf %mul3A_175, %exp3A_234 : vector<32x128xf32>
    %convert_element_type3A_245 = arith.truncf %mul3A_244 : vector<32x128xf32> to vector<32x128xbf16>
    %convert_element_type3A_246 = arith.extf %convert_element_type3A_245 : vector<32x128xbf16> to vector<32x128xf32>
    %mul3A_247 = arith.mulf %mul3A_181, %exp3A_240 : vector<32x128xf32>
    %convert_element_type3A_248 = arith.truncf %mul3A_247 : vector<32x128xf32> to vector<32x128xbf16>
    %convert_element_type3A_249 = arith.extf %convert_element_type3A_248 : vector<32x128xbf16> to vector<32x128xf32>
    %mul3A_250 = arith.mulf %mul3A_187, %exp3A : vector<32x128xf32>
    %convert_element_type3A_251 = arith.truncf %mul3A_250 : vector<32x128xf32> to vector<32x128xbf16>
    %convert_element_type3A_252 = arith.extf %convert_element_type3A_251 : vector<32x128xbf16> to vector<32x128xf32>
    %mul3A_253 = arith.mulf %sub3A_196, %exp3A_234 : vector<32x128xf32>
    %convert_element_type3A_254 = arith.truncf %mul3A_253 : vector<32x128xf32> to vector<32x128xbf16>
    %convert_element_type3A_255 = arith.extf %convert_element_type3A_254 : vector<32x128xbf16> to vector<32x128xf32>
    %mul3A_256 = arith.mulf %mul3A_202, %exp3A_240 : vector<32x128xf32>
    %convert_element_type3A_257 = arith.truncf %mul3A_256 : vector<32x128xf32> to vector<32x128xbf16>
    %convert_element_type3A_258 = arith.extf %convert_element_type3A_257 : vector<32x128xbf16> to vector<32x128xf32>
    %mul3A_259 = arith.mulf %mul3A_208, %exp3A : vector<32x128xf32>
    %convert_element_type3A_260 = arith.truncf %mul3A_259 : vector<32x128xf32> to vector<32x128xbf16>
    %convert_element_type3A_261 = arith.extf %convert_element_type3A_260 : vector<32x128xbf16> to vector<32x128xf32>
    %mul3A_262 = arith.mulf %mul3A_214, %exp3A_234 : vector<32x128xf32>
    %convert_element_type3A_263 = arith.truncf %mul3A_262 : vector<32x128xf32> to vector<32x128xbf16>
    %convert_element_type3A_264 = arith.extf %convert_element_type3A_263 : vector<32x128xbf16> to vector<32x128xf32>
    %mul3A_265 = arith.mulf %sub3A_223, %exp3A_240 : vector<32x128xf32>
    %convert_element_type3A_266 = arith.truncf %mul3A_265 : vector<32x128xf32> to vector<32x128xbf16>
    %convert_element_type3A_267 = arith.extf %convert_element_type3A_266 : vector<32x128xbf16> to vector<32x128xf32>
    %mul3A_268 = arith.mulf %convert_element_type3A_243, %convert_element_type3A_243 : vector<32x128xf32>
    %mul3A_269 = arith.mulf %convert_element_type3A_246, %convert_element_type3A_246 : vector<32x128xf32>
    %add3A_270 = arith.addf %mul3A_268, %mul3A_269 : vector<32x128xf32>
    %mul3A_271 = arith.mulf %convert_element_type3A_249, %convert_element_type3A_249 : vector<32x128xf32>
    %add3A_272 = arith.addf %add3A_270, %mul3A_271 : vector<32x128xf32>
    %mul3A_273 = arith.mulf %convert_element_type3A_243, %convert_element_type3A_252 : vector<32x128xf32>
    %mul3A_274 = arith.mulf %convert_element_type3A_246, %convert_element_type3A_255 : vector<32x128xf32>
    %add3A_275 = arith.addf %mul3A_273, %mul3A_274 : vector<32x128xf32>
    %mul3A_276 = arith.mulf %convert_element_type3A_249, %convert_element_type3A_258 : vector<32x128xf32>
    %add3A_277 = arith.addf %add3A_275, %mul3A_276 : vector<32x128xf32>
    %mul3A_278 = arith.mulf %convert_element_type3A_243, %convert_element_type3A_261 : vector<32x128xf32>
    %mul3A_279 = arith.mulf %convert_element_type3A_246, %convert_element_type3A_264 : vector<32x128xf32>
    %add3A_280 = arith.addf %mul3A_278, %mul3A_279 : vector<32x128xf32>
    %mul3A_281 = arith.mulf %convert_element_type3A_249, %convert_element_type3A_267 : vector<32x128xf32>
    %add3A_282 = arith.addf %add3A_280, %mul3A_281 : vector<32x128xf32>
    %mul3A_283 = arith.mulf %convert_element_type3A_252, %convert_element_type3A_243 : vector<32x128xf32>
    %mul3A_284 = arith.mulf %convert_element_type3A_255, %convert_element_type3A_246 : vector<32x128xf32>
    %add3A_285 = arith.addf %mul3A_283, %mul3A_284 : vector<32x128xf32>
    %mul3A_286 = arith.mulf %convert_element_type3A_258, %convert_element_type3A_249 : vector<32x128xf32>
    %add3A_287 = arith.addf %add3A_285, %mul3A_286 : vector<32x128xf32>
    %mul3A_288 = arith.mulf %convert_element_type3A_252, %convert_element_type3A_252 : vector<32x128xf32>
    %mul3A_289 = arith.mulf %convert_element_type3A_255, %convert_element_type3A_255 : vector<32x128xf32>
    %add3A_290 = arith.addf %mul3A_288, %mul3A_289 : vector<32x128xf32>
    %mul3A_291 = arith.mulf %convert_element_type3A_258, %convert_element_type3A_258 : vector<32x128xf32>
    %add3A_292 = arith.addf %add3A_290, %mul3A_291 : vector<32x128xf32>
    %mul3A_293 = arith.mulf %convert_element_type3A_252, %convert_element_type3A_261 : vector<32x128xf32>
    %mul3A_294 = arith.mulf %convert_element_type3A_255, %convert_element_type3A_264 : vector<32x128xf32>
    %add3A_295 = arith.addf %mul3A_293, %mul3A_294 : vector<32x128xf32>
    %mul3A_296 = arith.mulf %convert_element_type3A_258, %convert_element_type3A_267 : vector<32x128xf32>
    %add3A_297 = arith.addf %add3A_295, %mul3A_296 : vector<32x128xf32>
    %mul3A_298 = arith.mulf %convert_element_type3A_261, %convert_element_type3A_243 : vector<32x128xf32>
    %mul3A_299 = arith.mulf %convert_element_type3A_264, %convert_element_type3A_246 : vector<32x128xf32>
    %add3A_300 = arith.addf %mul3A_298, %mul3A_299 : vector<32x128xf32>
    %mul3A_301 = arith.mulf %convert_element_type3A_267, %convert_element_type3A_249 : vector<32x128xf32>
    %add3A_302 = arith.addf %add3A_300, %mul3A_301 : vector<32x128xf32>
    %mul3A_303 = arith.mulf %convert_element_type3A_261, %convert_element_type3A_252 : vector<32x128xf32>
    %mul3A_304 = arith.mulf %convert_element_type3A_264, %convert_element_type3A_255 : vector<32x128xf32>
    %add3A_305 = arith.addf %mul3A_303, %mul3A_304 : vector<32x128xf32>
    %mul3A_306 = arith.mulf %convert_element_type3A_267, %convert_element_type3A_258 : vector<32x128xf32>
    %add3A_307 = arith.addf %add3A_305, %mul3A_306 : vector<32x128xf32>
    %mul3A_308 = arith.mulf %convert_element_type3A_261, %convert_element_type3A_261 : vector<32x128xf32>
    %mul3A_309 = arith.mulf %convert_element_type3A_264, %convert_element_type3A_264 : vector<32x128xf32>
    %add3A_310 = arith.addf %mul3A_308, %mul3A_309 : vector<32x128xf32>
    %mul3A_311 = arith.mulf %convert_element_type3A_267, %convert_element_type3A_267 : vector<32x128xf32>
    %add3A_312 = arith.addf %add3A_310, %mul3A_311 : vector<32x128xf32>
    %get3A_313 = arith.constant 0 : index
    %get3A_314 = memref.load %arg1[%get3A_313] : memref<16xf32, #tpu.memory_space<smem>>
    %convert_element_type3A_315 = arith.truncf %get3A_314 : f32 to bf16
    %convert_element_type3A_316 = arith.extf %convert_element_type3A_315 : bf16 to f32
    %convert_element_type3A_317 = arith.truncf %add3A_272 : vector<32x128xf32> to vector<32x128xbf16>
    %convert_element_type3A_318 = arith.extf %convert_element_type3A_317 : vector<32x128xbf16> to vector<32x128xf32>
    %mul3A_319 = vector.broadcast %convert_element_type3A_316 : f32 to vector<32x128xf32>
    %mul3A_320 = arith.mulf %mul3A_319, %convert_element_type3A_318 : vector<32x128xf32>
    %get3A_321 = arith.constant 1 : index
    %get3A_322 = memref.load %arg1[%get3A_321] : memref<16xf32, #tpu.memory_space<smem>>
    %convert_element_type3A_323 = arith.truncf %get3A_322 : f32 to bf16
    %convert_element_type3A_324 = arith.extf %convert_element_type3A_323 : bf16 to f32
    %convert_element_type3A_325 = arith.truncf %add3A_287 : vector<32x128xf32> to vector<32x128xbf16>
    %convert_element_type3A_326 = arith.extf %convert_element_type3A_325 : vector<32x128xbf16> to vector<32x128xf32>
    %mul3A_327 = vector.broadcast %convert_element_type3A_324 : f32 to vector<32x128xf32>
    %mul3A_328 = arith.mulf %mul3A_327, %convert_element_type3A_326 : vector<32x128xf32>
    %add3A_329 = arith.addf %mul3A_320, %mul3A_328 : vector<32x128xf32>
    %get3A_330 = arith.constant 2 : index
    %get3A_331 = memref.load %arg1[%get3A_330] : memref<16xf32, #tpu.memory_space<smem>>
    %convert_element_type3A_332 = arith.truncf %get3A_331 : f32 to bf16
    %convert_element_type3A_333 = arith.extf %convert_element_type3A_332 : bf16 to f32
    %convert_element_type3A_334 = arith.truncf %add3A_302 : vector<32x128xf32> to vector<32x128xbf16>
    %convert_element_type3A_335 = arith.extf %convert_element_type3A_334 : vector<32x128xbf16> to vector<32x128xf32>
    %mul3A_336 = vector.broadcast %convert_element_type3A_333 : f32 to vector<32x128xf32>
    %mul3A_337 = arith.mulf %mul3A_336, %convert_element_type3A_335 : vector<32x128xf32>
    %add3A_338 = arith.addf %add3A_329, %mul3A_337 : vector<32x128xf32>
    %get3A_339 = arith.constant 0 : index
    %get3A_340 = memref.load %arg1[%get3A_339] : memref<16xf32, #tpu.memory_space<smem>>
    %convert_element_type3A_341 = arith.truncf %get3A_340 : f32 to bf16
    %convert_element_type3A_342 = arith.extf %convert_element_type3A_341 : bf16 to f32
    %convert_element_type3A_343 = arith.truncf %add3A_277 : vector<32x128xf32> to vector<32x128xbf16>
    %convert_element_type3A_344 = arith.extf %convert_element_type3A_343 : vector<32x128xbf16> to vector<32x128xf32>
    %mul3A_345 = vector.broadcast %convert_element_type3A_342 : f32 to vector<32x128xf32>
    %mul3A_346 = arith.mulf %mul3A_345, %convert_element_type3A_344 : vector<32x128xf32>
    %get3A_347 = arith.constant 1 : index
    %get3A_348 = memref.load %arg1[%get3A_347] : memref<16xf32, #tpu.memory_space<smem>>
    %convert_element_type3A_349 = arith.truncf %get3A_348 : f32 to bf16
    %convert_element_type3A_350 = arith.extf %convert_element_type3A_349 : bf16 to f32
    %convert_element_type3A_351 = arith.truncf %add3A_292 : vector<32x128xf32> to vector<32x128xbf16>
    %convert_element_type3A_352 = arith.extf %convert_element_type3A_351 : vector<32x128xbf16> to vector<32x128xf32>
    %mul3A_353 = vector.broadcast %convert_element_type3A_350 : f32 to vector<32x128xf32>
    %mul3A_354 = arith.mulf %mul3A_353, %convert_element_type3A_352 : vector<32x128xf32>
    %add3A_355 = arith.addf %mul3A_346, %mul3A_354 : vector<32x128xf32>
    %get3A_356 = arith.constant 2 : index
    %get3A_357 = memref.load %arg1[%get3A_356] : memref<16xf32, #tpu.memory_space<smem>>
    %convert_element_type3A_358 = arith.truncf %get3A_357 : f32 to bf16
    %convert_element_type3A_359 = arith.extf %convert_element_type3A_358 : bf16 to f32
    %convert_element_type3A_360 = arith.truncf %add3A_307 : vector<32x128xf32> to vector<32x128xbf16>
    %convert_element_type3A_361 = arith.extf %convert_element_type3A_360 : vector<32x128xbf16> to vector<32x128xf32>
    %mul3A_362 = vector.broadcast %convert_element_type3A_359 : f32 to vector<32x128xf32>
    %mul3A_363 = arith.mulf %mul3A_362, %convert_element_type3A_361 : vector<32x128xf32>
    %add3A_364 = arith.addf %add3A_355, %mul3A_363 : vector<32x128xf32>
    %get3A_365 = arith.constant 0 : index
    %get3A_366 = memref.load %arg1[%get3A_365] : memref<16xf32, #tpu.memory_space<smem>>
    %convert_element_type3A_367 = arith.truncf %get3A_366 : f32 to bf16
    %convert_element_type3A_368 = arith.extf %convert_element_type3A_367 : bf16 to f32
    %convert_element_type3A_369 = arith.truncf %add3A_282 : vector<32x128xf32> to vector<32x128xbf16>
    %convert_element_type3A_370 = arith.extf %convert_element_type3A_369 : vector<32x128xbf16> to vector<32x128xf32>
    %mul3A_371 = vector.broadcast %convert_element_type3A_368 : f32 to vector<32x128xf32>
    %mul3A_372 = arith.mulf %mul3A_371, %convert_element_type3A_370 : vector<32x128xf32>
    %get3A_373 = arith.constant 1 : index
    %get3A_374 = memref.load %arg1[%get3A_373] : memref<16xf32, #tpu.memory_space<smem>>
    %convert_element_type3A_375 = arith.truncf %get3A_374 : f32 to bf16
    %convert_element_type3A_376 = arith.extf %convert_element_type3A_375 : bf16 to f32
    %convert_element_type3A_377 = arith.truncf %add3A_297 : vector<32x128xf32> to vector<32x128xbf16>
    %convert_element_type3A_378 = arith.extf %convert_element_type3A_377 : vector<32x128xbf16> to vector<32x128xf32>
    %mul3A_379 = vector.broadcast %convert_element_type3A_376 : f32 to vector<32x128xf32>
    %mul3A_380 = arith.mulf %mul3A_379, %convert_element_type3A_378 : vector<32x128xf32>
    %add3A_381 = arith.addf %mul3A_372, %mul3A_380 : vector<32x128xf32>
    %get3A_382 = arith.constant 2 : index
    %get3A_383 = memref.load %arg1[%get3A_382] : memref<16xf32, #tpu.memory_space<smem>>
    %convert_element_type3A_384 = arith.truncf %get3A_383 : f32 to bf16
    %convert_element_type3A_385 = arith.extf %convert_element_type3A_384 : bf16 to f32
    %convert_element_type3A_386 = arith.truncf %add3A_312 : vector<32x128xf32> to vector<32x128xbf16>
    %convert_element_type3A_387 = arith.extf %convert_element_type3A_386 : vector<32x128xbf16> to vector<32x128xf32>
    %mul3A_388 = vector.broadcast %convert_element_type3A_385 : f32 to vector<32x128xf32>
    %mul3A_389 = arith.mulf %mul3A_388, %convert_element_type3A_387 : vector<32x128xf32>
    %add3A_390 = arith.addf %add3A_381, %mul3A_389 : vector<32x128xf32>
    %get3A_391 = arith.constant 3 : index
    %get3A_392 = memref.load %arg1[%get3A_391] : memref<16xf32, #tpu.memory_space<smem>>
    %convert_element_type3A_393 = arith.truncf %get3A_392 : f32 to bf16
    %convert_element_type3A_394 = arith.extf %convert_element_type3A_393 : bf16 to f32
    %convert_element_type3A_395 = arith.truncf %add3A_272 : vector<32x128xf32> to vector<32x128xbf16>
    %convert_element_type3A_396 = arith.extf %convert_element_type3A_395 : vector<32x128xbf16> to vector<32x128xf32>
    %mul3A_397 = vector.broadcast %convert_element_type3A_394 : f32 to vector<32x128xf32>
    %mul3A_398 = arith.mulf %mul3A_397, %convert_element_type3A_396 : vector<32x128xf32>
    %get3A_399 = arith.constant 4 : index
    %get3A_400 = memref.load %arg1[%get3A_399] : memref<16xf32, #tpu.memory_space<smem>>
    %convert_element_type3A_401 = arith.truncf %get3A_400 : f32 to bf16
    %convert_element_type3A_402 = arith.extf %convert_element_type3A_401 : bf16 to f32
    %convert_element_type3A_403 = arith.truncf %add3A_287 : vector<32x128xf32> to vector<32x128xbf16>
    %convert_element_type3A_404 = arith.extf %convert_element_type3A_403 : vector<32x128xbf16> to vector<32x128xf32>
    %mul3A_405 = vector.broadcast %convert_element_type3A_402 : f32 to vector<32x128xf32>
    %mul3A_406 = arith.mulf %mul3A_405, %convert_element_type3A_404 : vector<32x128xf32>
    %add3A_407 = arith.addf %mul3A_398, %mul3A_406 : vector<32x128xf32>
    %get3A_408 = arith.constant 5 : index
    %get3A_409 = memref.load %arg1[%get3A_408] : memref<16xf32, #tpu.memory_space<smem>>
    %convert_element_type3A_410 = arith.truncf %get3A_409 : f32 to bf16
    %convert_element_type3A_411 = arith.extf %convert_element_type3A_410 : bf16 to f32
    %convert_element_type3A_412 = arith.truncf %add3A_302 : vector<32x128xf32> to vector<32x128xbf16>
    %convert_element_type3A_413 = arith.extf %convert_element_type3A_412 : vector<32x128xbf16> to vector<32x128xf32>
    %mul3A_414 = vector.broadcast %convert_element_type3A_411 : f32 to vector<32x128xf32>
    %mul3A_415 = arith.mulf %mul3A_414, %convert_element_type3A_413 : vector<32x128xf32>
    %add3A_416 = arith.addf %add3A_407, %mul3A_415 : vector<32x128xf32>
    %get3A_417 = arith.constant 3 : index
    %get3A_418 = memref.load %arg1[%get3A_417] : memref<16xf32, #tpu.memory_space<smem>>
    %convert_element_type3A_419 = arith.truncf %get3A_418 : f32 to bf16
    %convert_element_type3A_420 = arith.extf %convert_element_type3A_419 : bf16 to f32
    %convert_element_type3A_421 = arith.truncf %add3A_277 : vector<32x128xf32> to vector<32x128xbf16>
    %convert_element_type3A_422 = arith.extf %convert_element_type3A_421 : vector<32x128xbf16> to vector<32x128xf32>
    %mul3A_423 = vector.broadcast %convert_element_type3A_420 : f32 to vector<32x128xf32>
    %mul3A_424 = arith.mulf %mul3A_423, %convert_element_type3A_422 : vector<32x128xf32>
    %get3A_425 = arith.constant 4 : index
    %get3A_426 = memref.load %arg1[%get3A_425] : memref<16xf32, #tpu.memory_space<smem>>
    %convert_element_type3A_427 = arith.truncf %get3A_426 : f32 to bf16
    %convert_element_type3A_428 = arith.extf %convert_element_type3A_427 : bf16 to f32
    %convert_element_type3A_429 = arith.truncf %add3A_292 : vector<32x128xf32> to vector<32x128xbf16>
    %convert_element_type3A_430 = arith.extf %convert_element_type3A_429 : vector<32x128xbf16> to vector<32x128xf32>
    %mul3A_431 = vector.broadcast %convert_element_type3A_428 : f32 to vector<32x128xf32>
    %mul3A_432 = arith.mulf %mul3A_431, %convert_element_type3A_430 : vector<32x128xf32>
    %add3A_433 = arith.addf %mul3A_424, %mul3A_432 : vector<32x128xf32>
    %get3A_434 = arith.constant 5 : index
    %get3A_435 = memref.load %arg1[%get3A_434] : memref<16xf32, #tpu.memory_space<smem>>
    %convert_element_type3A_436 = arith.truncf %get3A_435 : f32 to bf16
    %convert_element_type3A_437 = arith.extf %convert_element_type3A_436 : bf16 to f32
    %convert_element_type3A_438 = arith.truncf %add3A_307 : vector<32x128xf32> to vector<32x128xbf16>
    %convert_element_type3A_439 = arith.extf %convert_element_type3A_438 : vector<32x128xbf16> to vector<32x128xf32>
    %mul3A_440 = vector.broadcast %convert_element_type3A_437 : f32 to vector<32x128xf32>
    %mul3A_441 = arith.mulf %mul3A_440, %convert_element_type3A_439 : vector<32x128xf32>
    %add3A_442 = arith.addf %add3A_433, %mul3A_441 : vector<32x128xf32>
    %get3A_443 = arith.constant 3 : index
    %get3A_444 = memref.load %arg1[%get3A_443] : memref<16xf32, #tpu.memory_space<smem>>
    %convert_element_type3A_445 = arith.truncf %get3A_444 : f32 to bf16
    %convert_element_type3A_446 = arith.extf %convert_element_type3A_445 : bf16 to f32
    %convert_element_type3A_447 = arith.truncf %add3A_282 : vector<32x128xf32> to vector<32x128xbf16>
    %convert_element_type3A_448 = arith.extf %convert_element_type3A_447 : vector<32x128xbf16> to vector<32x128xf32>
    %mul3A_449 = vector.broadcast %convert_element_type3A_446 : f32 to vector<32x128xf32>
    %mul3A_450 = arith.mulf %mul3A_449, %convert_element_type3A_448 : vector<32x128xf32>
    %get3A_451 = arith.constant 4 : index
    %get3A_452 = memref.load %arg1[%get3A_451] : memref<16xf32, #tpu.memory_space<smem>>
    %convert_element_type3A_453 = arith.truncf %get3A_452 : f32 to bf16
    %convert_element_type3A_454 = arith.extf %convert_element_type3A_453 : bf16 to f32
    %convert_element_type3A_455 = arith.truncf %add3A_297 : vector<32x128xf32> to vector<32x128xbf16>
    %convert_element_type3A_456 = arith.extf %convert_element_type3A_455 : vector<32x128xbf16> to vector<32x128xf32>
    %mul3A_457 = vector.broadcast %convert_element_type3A_454 : f32 to vector<32x128xf32>
    %mul3A_458 = arith.mulf %mul3A_457, %convert_element_type3A_456 : vector<32x128xf32>
    %add3A_459 = arith.addf %mul3A_450, %mul3A_458 : vector<32x128xf32>
    %get3A_460 = arith.constant 5 : index
    %get3A_461 = memref.load %arg1[%get3A_460] : memref<16xf32, #tpu.memory_space<smem>>
    %convert_element_type3A_462 = arith.truncf %get3A_461 : f32 to bf16
    %convert_element_type3A_463 = arith.extf %convert_element_type3A_462 : bf16 to f32
    %convert_element_type3A_464 = arith.truncf %add3A_312 : vector<32x128xf32> to vector<32x128xbf16>
    %convert_element_type3A_465 = arith.extf %convert_element_type3A_464 : vector<32x128xbf16> to vector<32x128xf32>
    %mul3A_466 = vector.broadcast %convert_element_type3A_463 : f32 to vector<32x128xf32>
    %mul3A_467 = arith.mulf %mul3A_466, %convert_element_type3A_465 : vector<32x128xf32>
    %add3A_468 = arith.addf %add3A_459, %mul3A_467 : vector<32x128xf32>
    %get3A_469 = arith.constant 6 : index
    %get3A_470 = memref.load %arg1[%get3A_469] : memref<16xf32, #tpu.memory_space<smem>>
    %convert_element_type3A_471 = arith.truncf %get3A_470 : f32 to bf16
    %convert_element_type3A_472 = arith.extf %convert_element_type3A_471 : bf16 to f32
    %convert_element_type3A_473 = arith.truncf %add3A_272 : vector<32x128xf32> to vector<32x128xbf16>
    %convert_element_type3A_474 = arith.extf %convert_element_type3A_473 : vector<32x128xbf16> to vector<32x128xf32>
    %mul3A_475 = vector.broadcast %convert_element_type3A_472 : f32 to vector<32x128xf32>
    %mul3A_476 = arith.mulf %mul3A_475, %convert_element_type3A_474 : vector<32x128xf32>
    %get3A_477 = arith.constant 7 : index
    %get3A_478 = memref.load %arg1[%get3A_477] : memref<16xf32, #tpu.memory_space<smem>>
    %convert_element_type3A_479 = arith.truncf %get3A_478 : f32 to bf16
    %convert_element_type3A_480 = arith.extf %convert_element_type3A_479 : bf16 to f32
    %convert_element_type3A_481 = arith.truncf %add3A_287 : vector<32x128xf32> to vector<32x128xbf16>
    %convert_element_type3A_482 = arith.extf %convert_element_type3A_481 : vector<32x128xbf16> to vector<32x128xf32>
    %mul3A_483 = vector.broadcast %convert_element_type3A_480 : f32 to vector<32x128xf32>
    %mul3A_484 = arith.mulf %mul3A_483, %convert_element_type3A_482 : vector<32x128xf32>
    %add3A_485 = arith.addf %mul3A_476, %mul3A_484 : vector<32x128xf32>
    %get3A_486 = arith.constant 8 : index
    %get3A_487 = memref.load %arg1[%get3A_486] : memref<16xf32, #tpu.memory_space<smem>>
    %convert_element_type3A_488 = arith.truncf %get3A_487 : f32 to bf16
    %convert_element_type3A_489 = arith.extf %convert_element_type3A_488 : bf16 to f32
    %convert_element_type3A_490 = arith.truncf %add3A_302 : vector<32x128xf32> to vector<32x128xbf16>
    %convert_element_type3A_491 = arith.extf %convert_element_type3A_490 : vector<32x128xbf16> to vector<32x128xf32>
    %mul3A_492 = vector.broadcast %convert_element_type3A_489 : f32 to vector<32x128xf32>
    %mul3A_493 = arith.mulf %mul3A_492, %convert_element_type3A_491 : vector<32x128xf32>
    %add3A_494 = arith.addf %add3A_485, %mul3A_493 : vector<32x128xf32>
    %get3A_495 = arith.constant 6 : index
    %get3A_496 = memref.load %arg1[%get3A_495] : memref<16xf32, #tpu.memory_space<smem>>
    %convert_element_type3A_497 = arith.truncf %get3A_496 : f32 to bf16
    %convert_element_type3A_498 = arith.extf %convert_element_type3A_497 : bf16 to f32
    %convert_element_type3A_499 = arith.truncf %add3A_277 : vector<32x128xf32> to vector<32x128xbf16>
    %convert_element_type3A_500 = arith.extf %convert_element_type3A_499 : vector<32x128xbf16> to vector<32x128xf32>
    %mul3A_501 = vector.broadcast %convert_element_type3A_498 : f32 to vector<32x128xf32>
    %mul3A_502 = arith.mulf %mul3A_501, %convert_element_type3A_500 : vector<32x128xf32>
    %get3A_503 = arith.constant 7 : index
    %get3A_504 = memref.load %arg1[%get3A_503] : memref<16xf32, #tpu.memory_space<smem>>
    %convert_element_type3A_505 = arith.truncf %get3A_504 : f32 to bf16
    %convert_element_type3A_506 = arith.extf %convert_element_type3A_505 : bf16 to f32
    %convert_element_type3A_507 = arith.truncf %add3A_292 : vector<32x128xf32> to vector<32x128xbf16>
    %convert_element_type3A_508 = arith.extf %convert_element_type3A_507 : vector<32x128xbf16> to vector<32x128xf32>
    %mul3A_509 = vector.broadcast %convert_element_type3A_506 : f32 to vector<32x128xf32>
    %mul3A_510 = arith.mulf %mul3A_509, %convert_element_type3A_508 : vector<32x128xf32>
    %add3A_511 = arith.addf %mul3A_502, %mul3A_510 : vector<32x128xf32>
    %get3A_512 = arith.constant 8 : index
    %get3A_513 = memref.load %arg1[%get3A_512] : memref<16xf32, #tpu.memory_space<smem>>
    %convert_element_type3A_514 = arith.truncf %get3A_513 : f32 to bf16
    %convert_element_type3A_515 = arith.extf %convert_element_type3A_514 : bf16 to f32
    %convert_element_type3A_516 = arith.truncf %add3A_307 : vector<32x128xf32> to vector<32x128xbf16>
    %convert_element_type3A_517 = arith.extf %convert_element_type3A_516 : vector<32x128xbf16> to vector<32x128xf32>
    %mul3A_518 = vector.broadcast %convert_element_type3A_515 : f32 to vector<32x128xf32>
    %mul3A_519 = arith.mulf %mul3A_518, %convert_element_type3A_517 : vector<32x128xf32>
    %add3A_520 = arith.addf %add3A_511, %mul3A_519 : vector<32x128xf32>
    %get3A_521 = arith.constant 6 : index
    %get3A_522 = memref.load %arg1[%get3A_521] : memref<16xf32, #tpu.memory_space<smem>>
    %convert_element_type3A_523 = arith.truncf %get3A_522 : f32 to bf16
    %convert_element_type3A_524 = arith.extf %convert_element_type3A_523 : bf16 to f32
    %convert_element_type3A_525 = arith.truncf %add3A_282 : vector<32x128xf32> to vector<32x128xbf16>
    %convert_element_type3A_526 = arith.extf %convert_element_type3A_525 : vector<32x128xbf16> to vector<32x128xf32>
    %mul3A_527 = vector.broadcast %convert_element_type3A_524 : f32 to vector<32x128xf32>
    %mul3A_528 = arith.mulf %mul3A_527, %convert_element_type3A_526 : vector<32x128xf32>
    %get3A_529 = arith.constant 7 : index
    %get3A_530 = memref.load %arg1[%get3A_529] : memref<16xf32, #tpu.memory_space<smem>>
    %convert_element_type3A_531 = arith.truncf %get3A_530 : f32 to bf16
    %convert_element_type3A_532 = arith.extf %convert_element_type3A_531 : bf16 to f32
    %convert_element_type3A_533 = arith.truncf %add3A_297 : vector<32x128xf32> to vector<32x128xbf16>
    %convert_element_type3A_534 = arith.extf %convert_element_type3A_533 : vector<32x128xbf16> to vector<32x128xf32>
    %mul3A_535 = vector.broadcast %convert_element_type3A_532 : f32 to vector<32x128xf32>
    %mul3A_536 = arith.mulf %mul3A_535, %convert_element_type3A_534 : vector<32x128xf32>
    %add3A_537 = arith.addf %mul3A_528, %mul3A_536 : vector<32x128xf32>
    %get3A_538 = arith.constant 8 : index
    %get3A_539 = memref.load %arg1[%get3A_538] : memref<16xf32, #tpu.memory_space<smem>>
    %convert_element_type3A_540 = arith.truncf %get3A_539 : f32 to bf16
    %convert_element_type3A_541 = arith.extf %convert_element_type3A_540 : bf16 to f32
    %convert_element_type3A_542 = arith.truncf %add3A_312 : vector<32x128xf32> to vector<32x128xbf16>
    %convert_element_type3A_543 = arith.extf %convert_element_type3A_542 : vector<32x128xbf16> to vector<32x128xf32>
    %mul3A_544 = vector.broadcast %convert_element_type3A_541 : f32 to vector<32x128xf32>
    %mul3A_545 = arith.mulf %mul3A_544, %convert_element_type3A_543 : vector<32x128xf32>
    %add3A_546 = arith.addf %add3A_537, %mul3A_545 : vector<32x128xf32>
    %convert_element_type3A_547 = arith.truncf %add3A_338 : vector<32x128xf32> to vector<32x128xbf16>
    %convert_element_type3A_548 = arith.extf %convert_element_type3A_547 : vector<32x128xbf16> to vector<32x128xf32>
    %get3A_549 = arith.constant 0 : index
    %get3A_550 = memref.load %arg1[%get3A_549] : memref<16xf32, #tpu.memory_space<smem>>
    %convert_element_type3A_551 = arith.truncf %get3A_550 : f32 to bf16
    %convert_element_type3A_552 = arith.extf %convert_element_type3A_551 : bf16 to f32
    %mul3A_553 = vector.broadcast %convert_element_type3A_552 : f32 to vector<32x128xf32>
    %mul3A_554 = arith.mulf %convert_element_type3A_548, %mul3A_553 : vector<32x128xf32>
    %convert_element_type3A_555 = arith.truncf %add3A_364 : vector<32x128xf32> to vector<32x128xbf16>
    %convert_element_type3A_556 = arith.extf %convert_element_type3A_555 : vector<32x128xbf16> to vector<32x128xf32>
    %get3A_557 = arith.constant 1 : index
    %get3A_558 = memref.load %arg1[%get3A_557] : memref<16xf32, #tpu.memory_space<smem>>
    %convert_element_type3A_559 = arith.truncf %get3A_558 : f32 to bf16
    %convert_element_type3A_560 = arith.extf %convert_element_type3A_559 : bf16 to f32
    %mul3A_561 = vector.broadcast %convert_element_type3A_560 : f32 to vector<32x128xf32>
    %mul3A_562 = arith.mulf %convert_element_type3A_556, %mul3A_561 : vector<32x128xf32>
    %add3A_563 = arith.addf %mul3A_554, %mul3A_562 : vector<32x128xf32>
    %convert_element_type3A_564 = arith.truncf %add3A_390 : vector<32x128xf32> to vector<32x128xbf16>
    %convert_element_type3A_565 = arith.extf %convert_element_type3A_564 : vector<32x128xbf16> to vector<32x128xf32>
    %get3A_566 = arith.constant 2 : index
    %get3A_567 = memref.load %arg1[%get3A_566] : memref<16xf32, #tpu.memory_space<smem>>
    %convert_element_type3A_568 = arith.truncf %get3A_567 : f32 to bf16
    %convert_element_type3A_569 = arith.extf %convert_element_type3A_568 : bf16 to f32
    %mul3A_570 = vector.broadcast %convert_element_type3A_569 : f32 to vector<32x128xf32>
    %mul3A_571 = arith.mulf %convert_element_type3A_565, %mul3A_570 : vector<32x128xf32>
    %add3A_572 = arith.addf %add3A_563, %mul3A_571 : vector<32x128xf32>
    %convert_element_type3A_573 = arith.truncf %add3A_338 : vector<32x128xf32> to vector<32x128xbf16>
    %convert_element_type3A_574 = arith.extf %convert_element_type3A_573 : vector<32x128xbf16> to vector<32x128xf32>
    %get3A_575 = arith.constant 3 : index
    %get3A_576 = memref.load %arg1[%get3A_575] : memref<16xf32, #tpu.memory_space<smem>>
    %convert_element_type3A_577 = arith.truncf %get3A_576 : f32 to bf16
    %convert_element_type3A_578 = arith.extf %convert_element_type3A_577 : bf16 to f32
    %mul3A_579 = vector.broadcast %convert_element_type3A_578 : f32 to vector<32x128xf32>
    %mul3A_580 = arith.mulf %convert_element_type3A_574, %mul3A_579 : vector<32x128xf32>
    %convert_element_type3A_581 = arith.truncf %add3A_364 : vector<32x128xf32> to vector<32x128xbf16>
    %convert_element_type3A_582 = arith.extf %convert_element_type3A_581 : vector<32x128xbf16> to vector<32x128xf32>
    %get3A_583 = arith.constant 4 : index
    %get3A_584 = memref.load %arg1[%get3A_583] : memref<16xf32, #tpu.memory_space<smem>>
    %convert_element_type3A_585 = arith.truncf %get3A_584 : f32 to bf16
    %convert_element_type3A_586 = arith.extf %convert_element_type3A_585 : bf16 to f32
    %mul3A_587 = vector.broadcast %convert_element_type3A_586 : f32 to vector<32x128xf32>
    %mul3A_588 = arith.mulf %convert_element_type3A_582, %mul3A_587 : vector<32x128xf32>
    %add3A_589 = arith.addf %mul3A_580, %mul3A_588 : vector<32x128xf32>
    %convert_element_type3A_590 = arith.truncf %add3A_390 : vector<32x128xf32> to vector<32x128xbf16>
    %convert_element_type3A_591 = arith.extf %convert_element_type3A_590 : vector<32x128xbf16> to vector<32x128xf32>
    %get3A_592 = arith.constant 5 : index
    %get3A_593 = memref.load %arg1[%get3A_592] : memref<16xf32, #tpu.memory_space<smem>>
    %convert_element_type3A_594 = arith.truncf %get3A_593 : f32 to bf16
    %convert_element_type3A_595 = arith.extf %convert_element_type3A_594 : bf16 to f32
    %mul3A_596 = vector.broadcast %convert_element_type3A_595 : f32 to vector<32x128xf32>
    %mul3A_597 = arith.mulf %convert_element_type3A_591, %mul3A_596 : vector<32x128xf32>
    %add3A_598 = arith.addf %add3A_589, %mul3A_597 : vector<32x128xf32>
    %convert_element_type3A_599 = arith.truncf %add3A_338 : vector<32x128xf32> to vector<32x128xbf16>
    %convert_element_type3A_600 = arith.extf %convert_element_type3A_599 : vector<32x128xbf16> to vector<32x128xf32>
    %get3A_601 = arith.constant 6 : index
    %get3A_602 = memref.load %arg1[%get3A_601] : memref<16xf32, #tpu.memory_space<smem>>
    %convert_element_type3A_603 = arith.truncf %get3A_602 : f32 to bf16
    %convert_element_type3A_604 = arith.extf %convert_element_type3A_603 : bf16 to f32
    %mul3A_605 = vector.broadcast %convert_element_type3A_604 : f32 to vector<32x128xf32>
    %mul3A_606 = arith.mulf %convert_element_type3A_600, %mul3A_605 : vector<32x128xf32>
    %convert_element_type3A_607 = arith.truncf %add3A_364 : vector<32x128xf32> to vector<32x128xbf16>
    %convert_element_type3A_608 = arith.extf %convert_element_type3A_607 : vector<32x128xbf16> to vector<32x128xf32>
    %get3A_609 = arith.constant 7 : index
    %get3A_610 = memref.load %arg1[%get3A_609] : memref<16xf32, #tpu.memory_space<smem>>
    %convert_element_type3A_611 = arith.truncf %get3A_610 : f32 to bf16
    %convert_element_type3A_612 = arith.extf %convert_element_type3A_611 : bf16 to f32
    %mul3A_613 = vector.broadcast %convert_element_type3A_612 : f32 to vector<32x128xf32>
    %mul3A_614 = arith.mulf %convert_element_type3A_608, %mul3A_613 : vector<32x128xf32>
    %add3A_615 = arith.addf %mul3A_606, %mul3A_614 : vector<32x128xf32>
    %convert_element_type3A_616 = arith.truncf %add3A_390 : vector<32x128xf32> to vector<32x128xbf16>
    %convert_element_type3A_617 = arith.extf %convert_element_type3A_616 : vector<32x128xbf16> to vector<32x128xf32>
    %get3A_618 = arith.constant 8 : index
    %get3A_619 = memref.load %arg1[%get3A_618] : memref<16xf32, #tpu.memory_space<smem>>
    %convert_element_type3A_620 = arith.truncf %get3A_619 : f32 to bf16
    %convert_element_type3A_621 = arith.extf %convert_element_type3A_620 : bf16 to f32
    %mul3A_622 = vector.broadcast %convert_element_type3A_621 : f32 to vector<32x128xf32>
    %mul3A_623 = arith.mulf %convert_element_type3A_617, %mul3A_622 : vector<32x128xf32>
    %add3A_624 = arith.addf %add3A_615, %mul3A_623 : vector<32x128xf32>
    %convert_element_type3A_625 = arith.truncf %add3A_416 : vector<32x128xf32> to vector<32x128xbf16>
    %convert_element_type3A_626 = arith.extf %convert_element_type3A_625 : vector<32x128xbf16> to vector<32x128xf32>
    %get3A_627 = arith.constant 0 : index
    %get3A_628 = memref.load %arg1[%get3A_627] : memref<16xf32, #tpu.memory_space<smem>>
    %convert_element_type3A_629 = arith.truncf %get3A_628 : f32 to bf16
    %convert_element_type3A_630 = arith.extf %convert_element_type3A_629 : bf16 to f32
    %mul3A_631 = vector.broadcast %convert_element_type3A_630 : f32 to vector<32x128xf32>
    %mul3A_632 = arith.mulf %convert_element_type3A_626, %mul3A_631 : vector<32x128xf32>
    %convert_element_type3A_633 = arith.truncf %add3A_442 : vector<32x128xf32> to vector<32x128xbf16>
    %convert_element_type3A_634 = arith.extf %convert_element_type3A_633 : vector<32x128xbf16> to vector<32x128xf32>
    %get3A_635 = arith.constant 1 : index
    %get3A_636 = memref.load %arg1[%get3A_635] : memref<16xf32, #tpu.memory_space<smem>>
    %convert_element_type3A_637 = arith.truncf %get3A_636 : f32 to bf16
    %convert_element_type3A_638 = arith.extf %convert_element_type3A_637 : bf16 to f32
    %mul3A_639 = vector.broadcast %convert_element_type3A_638 : f32 to vector<32x128xf32>
    %mul3A_640 = arith.mulf %convert_element_type3A_634, %mul3A_639 : vector<32x128xf32>
    %add3A_641 = arith.addf %mul3A_632, %mul3A_640 : vector<32x128xf32>
    %convert_element_type3A_642 = arith.truncf %add3A_468 : vector<32x128xf32> to vector<32x128xbf16>
    %convert_element_type3A_643 = arith.extf %convert_element_type3A_642 : vector<32x128xbf16> to vector<32x128xf32>
    %get3A_644 = arith.constant 2 : index
    %get3A_645 = memref.load %arg1[%get3A_644] : memref<16xf32, #tpu.memory_space<smem>>
    %convert_element_type3A_646 = arith.truncf %get3A_645 : f32 to bf16
    %convert_element_type3A_647 = arith.extf %convert_element_type3A_646 : bf16 to f32
    %mul3A_648 = vector.broadcast %convert_element_type3A_647 : f32 to vector<32x128xf32>
    %mul3A_649 = arith.mulf %convert_element_type3A_643, %mul3A_648 : vector<32x128xf32>
    %add3A_650 = arith.addf %add3A_641, %mul3A_649 : vector<32x128xf32>
    %convert_element_type3A_651 = arith.truncf %add3A_416 : vector<32x128xf32> to vector<32x128xbf16>
    %convert_element_type3A_652 = arith.extf %convert_element_type3A_651 : vector<32x128xbf16> to vector<32x128xf32>
    %get3A_653 = arith.constant 3 : index
    %get3A_654 = memref.load %arg1[%get3A_653] : memref<16xf32, #tpu.memory_space<smem>>
    %convert_element_type3A_655 = arith.truncf %get3A_654 : f32 to bf16
    %convert_element_type3A_656 = arith.extf %convert_element_type3A_655 : bf16 to f32
    %mul3A_657 = vector.broadcast %convert_element_type3A_656 : f32 to vector<32x128xf32>
    %mul3A_658 = arith.mulf %convert_element_type3A_652, %mul3A_657 : vector<32x128xf32>
    %convert_element_type3A_659 = arith.truncf %add3A_442 : vector<32x128xf32> to vector<32x128xbf16>
    %convert_element_type3A_660 = arith.extf %convert_element_type3A_659 : vector<32x128xbf16> to vector<32x128xf32>
    %get3A_661 = arith.constant 4 : index
    %get3A_662 = memref.load %arg1[%get3A_661] : memref<16xf32, #tpu.memory_space<smem>>
    %convert_element_type3A_663 = arith.truncf %get3A_662 : f32 to bf16
    %convert_element_type3A_664 = arith.extf %convert_element_type3A_663 : bf16 to f32
    %mul3A_665 = vector.broadcast %convert_element_type3A_664 : f32 to vector<32x128xf32>
    %mul3A_666 = arith.mulf %convert_element_type3A_660, %mul3A_665 : vector<32x128xf32>
    %add3A_667 = arith.addf %mul3A_658, %mul3A_666 : vector<32x128xf32>
    %convert_element_type3A_668 = arith.truncf %add3A_468 : vector<32x128xf32> to vector<32x128xbf16>
    %convert_element_type3A_669 = arith.extf %convert_element_type3A_668 : vector<32x128xbf16> to vector<32x128xf32>
    %get3A_670 = arith.constant 5 : index
    %get3A_671 = memref.load %arg1[%get3A_670] : memref<16xf32, #tpu.memory_space<smem>>
    %convert_element_type3A_672 = arith.truncf %get3A_671 : f32 to bf16
    %convert_element_type3A_673 = arith.extf %convert_element_type3A_672 : bf16 to f32
    %mul3A_674 = vector.broadcast %convert_element_type3A_673 : f32 to vector<32x128xf32>
    %mul3A_675 = arith.mulf %convert_element_type3A_669, %mul3A_674 : vector<32x128xf32>
    %add3A_676 = arith.addf %add3A_667, %mul3A_675 : vector<32x128xf32>
    %convert_element_type3A_677 = arith.truncf %add3A_416 : vector<32x128xf32> to vector<32x128xbf16>
    %convert_element_type3A_678 = arith.extf %convert_element_type3A_677 : vector<32x128xbf16> to vector<32x128xf32>
    %get3A_679 = arith.constant 6 : index
    %get3A_680 = memref.load %arg1[%get3A_679] : memref<16xf32, #tpu.memory_space<smem>>
    %convert_element_type3A_681 = arith.truncf %get3A_680 : f32 to bf16
    %convert_element_type3A_682 = arith.extf %convert_element_type3A_681 : bf16 to f32
    %mul3A_683 = vector.broadcast %convert_element_type3A_682 : f32 to vector<32x128xf32>
    %mul3A_684 = arith.mulf %convert_element_type3A_678, %mul3A_683 : vector<32x128xf32>
    %convert_element_type3A_685 = arith.truncf %add3A_442 : vector<32x128xf32> to vector<32x128xbf16>
    %convert_element_type3A_686 = arith.extf %convert_element_type3A_685 : vector<32x128xbf16> to vector<32x128xf32>
    %get3A_687 = arith.constant 7 : index
    %get3A_688 = memref.load %arg1[%get3A_687] : memref<16xf32, #tpu.memory_space<smem>>
    %convert_element_type3A_689 = arith.truncf %get3A_688 : f32 to bf16
    %convert_element_type3A_690 = arith.extf %convert_element_type3A_689 : bf16 to f32
    %mul3A_691 = vector.broadcast %convert_element_type3A_690 : f32 to vector<32x128xf32>
    %mul3A_692 = arith.mulf %convert_element_type3A_686, %mul3A_691 : vector<32x128xf32>
    %add3A_693 = arith.addf %mul3A_684, %mul3A_692 : vector<32x128xf32>
    %convert_element_type3A_694 = arith.truncf %add3A_468 : vector<32x128xf32> to vector<32x128xbf16>
    %convert_element_type3A_695 = arith.extf %convert_element_type3A_694 : vector<32x128xbf16> to vector<32x128xf32>
    %get3A_696 = arith.constant 8 : index
    %get3A_697 = memref.load %arg1[%get3A_696] : memref<16xf32, #tpu.memory_space<smem>>
    %convert_element_type3A_698 = arith.truncf %get3A_697 : f32 to bf16
    %convert_element_type3A_699 = arith.extf %convert_element_type3A_698 : bf16 to f32
    %mul3A_700 = vector.broadcast %convert_element_type3A_699 : f32 to vector<32x128xf32>
    %mul3A_701 = arith.mulf %convert_element_type3A_695, %mul3A_700 : vector<32x128xf32>
    %add3A_702 = arith.addf %add3A_693, %mul3A_701 : vector<32x128xf32>
    %convert_element_type3A_703 = arith.truncf %add3A_494 : vector<32x128xf32> to vector<32x128xbf16>
    %convert_element_type3A_704 = arith.extf %convert_element_type3A_703 : vector<32x128xbf16> to vector<32x128xf32>
    %get3A_705 = arith.constant 0 : index
    %get3A_706 = memref.load %arg1[%get3A_705] : memref<16xf32, #tpu.memory_space<smem>>
    %convert_element_type3A_707 = arith.truncf %get3A_706 : f32 to bf16
    %convert_element_type3A_708 = arith.extf %convert_element_type3A_707 : bf16 to f32
    %mul3A_709 = vector.broadcast %convert_element_type3A_708 : f32 to vector<32x128xf32>
    %mul3A_710 = arith.mulf %convert_element_type3A_704, %mul3A_709 : vector<32x128xf32>
    %convert_element_type3A_711 = arith.truncf %add3A_520 : vector<32x128xf32> to vector<32x128xbf16>
    %convert_element_type3A_712 = arith.extf %convert_element_type3A_711 : vector<32x128xbf16> to vector<32x128xf32>
    %get3A_713 = arith.constant 1 : index
    %get3A_714 = memref.load %arg1[%get3A_713] : memref<16xf32, #tpu.memory_space<smem>>
    %convert_element_type3A_715 = arith.truncf %get3A_714 : f32 to bf16
    %convert_element_type3A_716 = arith.extf %convert_element_type3A_715 : bf16 to f32
    %mul3A_717 = vector.broadcast %convert_element_type3A_716 : f32 to vector<32x128xf32>
    %mul3A_718 = arith.mulf %convert_element_type3A_712, %mul3A_717 : vector<32x128xf32>
    %add3A_719 = arith.addf %mul3A_710, %mul3A_718 : vector<32x128xf32>
    %convert_element_type3A_720 = arith.truncf %add3A_546 : vector<32x128xf32> to vector<32x128xbf16>
    %convert_element_type3A_721 = arith.extf %convert_element_type3A_720 : vector<32x128xbf16> to vector<32x128xf32>
    %get3A_722 = arith.constant 2 : index
    %get3A_723 = memref.load %arg1[%get3A_722] : memref<16xf32, #tpu.memory_space<smem>>
    %convert_element_type3A_724 = arith.truncf %get3A_723 : f32 to bf16
    %convert_element_type3A_725 = arith.extf %convert_element_type3A_724 : bf16 to f32
    %mul3A_726 = vector.broadcast %convert_element_type3A_725 : f32 to vector<32x128xf32>
    %mul3A_727 = arith.mulf %convert_element_type3A_721, %mul3A_726 : vector<32x128xf32>
    %add3A_728 = arith.addf %add3A_719, %mul3A_727 : vector<32x128xf32>
    %convert_element_type3A_729 = arith.truncf %add3A_494 : vector<32x128xf32> to vector<32x128xbf16>
    %convert_element_type3A_730 = arith.extf %convert_element_type3A_729 : vector<32x128xbf16> to vector<32x128xf32>
    %get3A_731 = arith.constant 3 : index
    %get3A_732 = memref.load %arg1[%get3A_731] : memref<16xf32, #tpu.memory_space<smem>>
    %convert_element_type3A_733 = arith.truncf %get3A_732 : f32 to bf16
    %convert_element_type3A_734 = arith.extf %convert_element_type3A_733 : bf16 to f32
    %mul3A_735 = vector.broadcast %convert_element_type3A_734 : f32 to vector<32x128xf32>
    %mul3A_736 = arith.mulf %convert_element_type3A_730, %mul3A_735 : vector<32x128xf32>
    %convert_element_type3A_737 = arith.truncf %add3A_520 : vector<32x128xf32> to vector<32x128xbf16>
    %convert_element_type3A_738 = arith.extf %convert_element_type3A_737 : vector<32x128xbf16> to vector<32x128xf32>
    %get3A_739 = arith.constant 4 : index
    %get3A_740 = memref.load %arg1[%get3A_739] : memref<16xf32, #tpu.memory_space<smem>>
    %convert_element_type3A_741 = arith.truncf %get3A_740 : f32 to bf16
    %convert_element_type3A_742 = arith.extf %convert_element_type3A_741 : bf16 to f32
    %mul3A_743 = vector.broadcast %convert_element_type3A_742 : f32 to vector<32x128xf32>
    %mul3A_744 = arith.mulf %convert_element_type3A_738, %mul3A_743 : vector<32x128xf32>
    %add3A_745 = arith.addf %mul3A_736, %mul3A_744 : vector<32x128xf32>
    %convert_element_type3A_746 = arith.truncf %add3A_546 : vector<32x128xf32> to vector<32x128xbf16>
    %convert_element_type3A_747 = arith.extf %convert_element_type3A_746 : vector<32x128xbf16> to vector<32x128xf32>
    %get3A_748 = arith.constant 5 : index
    %get3A_749 = memref.load %arg1[%get3A_748] : memref<16xf32, #tpu.memory_space<smem>>
    %convert_element_type3A_750 = arith.truncf %get3A_749 : f32 to bf16
    %convert_element_type3A_751 = arith.extf %convert_element_type3A_750 : bf16 to f32
    %mul3A_752 = vector.broadcast %convert_element_type3A_751 : f32 to vector<32x128xf32>
    %mul3A_753 = arith.mulf %convert_element_type3A_747, %mul3A_752 : vector<32x128xf32>
    %add3A_754 = arith.addf %add3A_745, %mul3A_753 : vector<32x128xf32>
    %convert_element_type3A_755 = arith.truncf %add3A_494 : vector<32x128xf32> to vector<32x128xbf16>
    %convert_element_type3A_756 = arith.extf %convert_element_type3A_755 : vector<32x128xbf16> to vector<32x128xf32>
    %get3A_757 = arith.constant 6 : index
    %get3A_758 = memref.load %arg1[%get3A_757] : memref<16xf32, #tpu.memory_space<smem>>
    %convert_element_type3A_759 = arith.truncf %get3A_758 : f32 to bf16
    %convert_element_type3A_760 = arith.extf %convert_element_type3A_759 : bf16 to f32
    %mul3A_761 = vector.broadcast %convert_element_type3A_760 : f32 to vector<32x128xf32>
    %mul3A_762 = arith.mulf %convert_element_type3A_756, %mul3A_761 : vector<32x128xf32>
    %convert_element_type3A_763 = arith.truncf %add3A_520 : vector<32x128xf32> to vector<32x128xbf16>
    %convert_element_type3A_764 = arith.extf %convert_element_type3A_763 : vector<32x128xbf16> to vector<32x128xf32>
    %get3A_765 = arith.constant 7 : index
    %get3A_766 = memref.load %arg1[%get3A_765] : memref<16xf32, #tpu.memory_space<smem>>
    %convert_element_type3A_767 = arith.truncf %get3A_766 : f32 to bf16
    %convert_element_type3A_768 = arith.extf %convert_element_type3A_767 : bf16 to f32
    %mul3A_769 = vector.broadcast %convert_element_type3A_768 : f32 to vector<32x128xf32>
    %mul3A_770 = arith.mulf %convert_element_type3A_764, %mul3A_769 : vector<32x128xf32>
    %add3A_771 = arith.addf %mul3A_762, %mul3A_770 : vector<32x128xf32>
    %convert_element_type3A_772 = arith.truncf %add3A_546 : vector<32x128xf32> to vector<32x128xbf16>
    %convert_element_type3A_773 = arith.extf %convert_element_type3A_772 : vector<32x128xbf16> to vector<32x128xf32>
    %get3A_774 = arith.constant 8 : index
    %get3A_775 = memref.load %arg1[%get3A_774] : memref<16xf32, #tpu.memory_space<smem>>
    %convert_element_type3A_776 = arith.truncf %get3A_775 : f32 to bf16
    %convert_element_type3A_777 = arith.extf %convert_element_type3A_776 : bf16 to f32
    %mul3A_778 = vector.broadcast %convert_element_type3A_777 : f32 to vector<32x128xf32>
    %mul3A_779 = arith.mulf %convert_element_type3A_773, %mul3A_778 : vector<32x128xf32>
    %add3A_780 = arith.addf %add3A_771, %mul3A_779 : vector<32x128xf32>
    %div3A_781 = arith.constant 5.000000e+02 : f32
    %div3A_782 = vector.broadcast %div3A_781 : f32 to vector<32x128xf32>
    %div3A_783 = arith.divf %div3A_782, %max3A_98 : vector<32x128xf32>
    %mul3A_784 = arith.constant -5.000000e+02 : f32
    %mul3A_785 = vector.broadcast %mul3A_784 : f32 to vector<32x128xf32>
    %mul3A_786 = arith.mulf %mul3A_785, %add3A_48 : vector<32x128xf32>
    %mul3A_787 = arith.mulf %max3A_98, %max3A_98 : vector<32x128xf32>
    %div3A_788 = arith.divf %mul3A_786, %mul3A_787 : vector<32x128xf32>
    %div3A_789 = arith.constant 5.000000e+02 : f32
    %div3A_790 = vector.broadcast %div3A_789 : f32 to vector<32x128xf32>
    %div3A_791 = arith.divf %div3A_790, %max3A_98 : vector<32x128xf32>
    %mul3A_792 = arith.constant -5.000000e+02 : f32
    %mul3A_793 = vector.broadcast %mul3A_792 : f32 to vector<32x128xf32>
    %mul3A_794 = arith.mulf %mul3A_793, %add3A_72 : vector<32x128xf32>
    %mul3A_795 = arith.mulf %max3A_98, %max3A_98 : vector<32x128xf32>
    %div3A_796 = arith.divf %mul3A_794, %mul3A_795 : vector<32x128xf32>
    %convert_element_type3A_797 = arith.truncf %div3A_783 : vector<32x128xf32> to vector<32x128xbf16>
    %convert_element_type3A_798 = arith.extf %convert_element_type3A_797 : vector<32x128xbf16> to vector<32x128xf32>
    %convert_element_type3A_799 = arith.truncf %div3A_788 : vector<32x128xf32> to vector<32x128xbf16>
    %convert_element_type3A_800 = arith.extf %convert_element_type3A_799 : vector<32x128xbf16> to vector<32x128xf32>
    %convert_element_type3A_801 = arith.truncf %div3A_791 : vector<32x128xf32> to vector<32x128xbf16>
    %convert_element_type3A_802 = arith.extf %convert_element_type3A_801 : vector<32x128xbf16> to vector<32x128xf32>
    %convert_element_type3A_803 = arith.truncf %div3A_796 : vector<32x128xf32> to vector<32x128xbf16>
    %convert_element_type3A_804 = arith.extf %convert_element_type3A_803 : vector<32x128xbf16> to vector<32x128xf32>
    %convert_element_type3A_805 = arith.truncf %add3A_572 : vector<32x128xf32> to vector<32x128xbf16>
    %convert_element_type3A_806 = arith.extf %convert_element_type3A_805 : vector<32x128xbf16> to vector<32x128xf32>
    %mul3A_807 = arith.mulf %convert_element_type3A_798, %convert_element_type3A_806 : vector<32x128xf32>
    %convert_element_type3A_808 = arith.truncf %add3A_728 : vector<32x128xf32> to vector<32x128xbf16>
    %convert_element_type3A_809 = arith.extf %convert_element_type3A_808 : vector<32x128xbf16> to vector<32x128xf32>
    %mul3A_810 = arith.mulf %convert_element_type3A_800, %convert_element_type3A_809 : vector<32x128xf32>
    %add3A_811 = arith.addf %mul3A_807, %mul3A_810 : vector<32x128xf32>
    %convert_element_type3A_812 = arith.truncf %add3A_598 : vector<32x128xf32> to vector<32x128xbf16>
    %convert_element_type3A_813 = arith.extf %convert_element_type3A_812 : vector<32x128xbf16> to vector<32x128xf32>
    %mul3A_814 = arith.mulf %convert_element_type3A_798, %convert_element_type3A_813 : vector<32x128xf32>
    %convert_element_type3A_815 = arith.truncf %add3A_754 : vector<32x128xf32> to vector<32x128xbf16>
    %convert_element_type3A_816 = arith.extf %convert_element_type3A_815 : vector<32x128xbf16> to vector<32x128xf32>
    %mul3A_817 = arith.mulf %convert_element_type3A_800, %convert_element_type3A_816 : vector<32x128xf32>
    %add3A_818 = arith.addf %mul3A_814, %mul3A_817 : vector<32x128xf32>
    %convert_element_type3A_819 = arith.truncf %add3A_624 : vector<32x128xf32> to vector<32x128xbf16>
    %convert_element_type3A_820 = arith.extf %convert_element_type3A_819 : vector<32x128xbf16> to vector<32x128xf32>
    %mul3A_821 = arith.mulf %convert_element_type3A_798, %convert_element_type3A_820 : vector<32x128xf32>
    %convert_element_type3A_822 = arith.truncf %add3A_780 : vector<32x128xf32> to vector<32x128xbf16>
    %convert_element_type3A_823 = arith.extf %convert_element_type3A_822 : vector<32x128xbf16> to vector<32x128xf32>
    %mul3A_824 = arith.mulf %convert_element_type3A_800, %convert_element_type3A_823 : vector<32x128xf32>
    %add3A_825 = arith.addf %mul3A_821, %mul3A_824 : vector<32x128xf32>
    %convert_element_type3A_826 = arith.truncf %add3A_650 : vector<32x128xf32> to vector<32x128xbf16>
    %convert_element_type3A_827 = arith.extf %convert_element_type3A_826 : vector<32x128xbf16> to vector<32x128xf32>
    %mul3A_828 = arith.mulf %convert_element_type3A_802, %convert_element_type3A_827 : vector<32x128xf32>
    %convert_element_type3A_829 = arith.truncf %add3A_728 : vector<32x128xf32> to vector<32x128xbf16>
    %convert_element_type3A_830 = arith.extf %convert_element_type3A_829 : vector<32x128xbf16> to vector<32x128xf32>
    %mul3A_831 = arith.mulf %convert_element_type3A_804, %convert_element_type3A_830 : vector<32x128xf32>
    %add3A_832 = arith.addf %mul3A_828, %mul3A_831 : vector<32x128xf32>
    %convert_element_type3A_833 = arith.truncf %add3A_676 : vector<32x128xf32> to vector<32x128xbf16>
    %convert_element_type3A_834 = arith.extf %convert_element_type3A_833 : vector<32x128xbf16> to vector<32x128xf32>
    %mul3A_835 = arith.mulf %convert_element_type3A_802, %convert_element_type3A_834 : vector<32x128xf32>
    %convert_element_type3A_836 = arith.truncf %add3A_754 : vector<32x128xf32> to vector<32x128xbf16>
    %convert_element_type3A_837 = arith.extf %convert_element_type3A_836 : vector<32x128xbf16> to vector<32x128xf32>
    %mul3A_838 = arith.mulf %convert_element_type3A_804, %convert_element_type3A_837 : vector<32x128xf32>
    %add3A_839 = arith.addf %mul3A_835, %mul3A_838 : vector<32x128xf32>
    %convert_element_type3A_840 = arith.truncf %add3A_702 : vector<32x128xf32> to vector<32x128xbf16>
    %convert_element_type3A_841 = arith.extf %convert_element_type3A_840 : vector<32x128xbf16> to vector<32x128xf32>
    %mul3A_842 = arith.mulf %convert_element_type3A_802, %convert_element_type3A_841 : vector<32x128xf32>
    %convert_element_type3A_843 = arith.truncf %add3A_780 : vector<32x128xf32> to vector<32x128xbf16>
    %convert_element_type3A_844 = arith.extf %convert_element_type3A_843 : vector<32x128xbf16> to vector<32x128xf32>
    %mul3A_845 = arith.mulf %convert_element_type3A_804, %convert_element_type3A_844 : vector<32x128xf32>
    %add3A_846 = arith.addf %mul3A_842, %mul3A_845 : vector<32x128xf32>
    %convert_element_type3A_847 = arith.truncf %add3A_811 : vector<32x128xf32> to vector<32x128xbf16>
    %convert_element_type3A_848 = arith.extf %convert_element_type3A_847 : vector<32x128xbf16> to vector<32x128xf32>
    %mul3A_849 = arith.mulf %convert_element_type3A_848, %convert_element_type3A_798 : vector<32x128xf32>
    %convert_element_type3A_850 = arith.truncf %add3A_825 : vector<32x128xf32> to vector<32x128xbf16>
    %convert_element_type3A_851 = arith.extf %convert_element_type3A_850 : vector<32x128xbf16> to vector<32x128xf32>
    %mul3A_852 = arith.mulf %convert_element_type3A_851, %convert_element_type3A_800 : vector<32x128xf32>
    %add3A_853 = arith.addf %mul3A_849, %mul3A_852 : vector<32x128xf32>
    %add3A_854 = arith.constant 3.000000e-01 : f32
    %add3A_855 = vector.broadcast %add3A_854 : f32 to vector<32x128xf32>
    %add3A_856 = arith.addf %add3A_853, %add3A_855 : vector<32x128xf32>
    %convert_element_type3A_857 = arith.truncf %add3A_818 : vector<32x128xf32> to vector<32x128xbf16>
    %convert_element_type3A_858 = arith.extf %convert_element_type3A_857 : vector<32x128xbf16> to vector<32x128xf32>
    %mul3A_859 = arith.mulf %convert_element_type3A_858, %convert_element_type3A_802 : vector<32x128xf32>
    %convert_element_type3A_860 = arith.truncf %add3A_825 : vector<32x128xf32> to vector<32x128xbf16>
    %convert_element_type3A_861 = arith.extf %convert_element_type3A_860 : vector<32x128xbf16> to vector<32x128xf32>
    %mul3A_862 = arith.mulf %convert_element_type3A_861, %convert_element_type3A_804 : vector<32x128xf32>
    %add3A_863 = arith.addf %mul3A_859, %mul3A_862 : vector<32x128xf32>
    %convert_element_type3A_864 = arith.truncf %add3A_832 : vector<32x128xf32> to vector<32x128xbf16>
    %convert_element_type3A_865 = arith.extf %convert_element_type3A_864 : vector<32x128xbf16> to vector<32x128xf32>
    %mul3A_866 = arith.mulf %convert_element_type3A_865, %convert_element_type3A_798 : vector<32x128xf32>
    %convert_element_type3A_867 = arith.truncf %add3A_846 : vector<32x128xf32> to vector<32x128xbf16>
    %convert_element_type3A_868 = arith.extf %convert_element_type3A_867 : vector<32x128xbf16> to vector<32x128xf32>
    %mul3A_869 = arith.mulf %convert_element_type3A_868, %convert_element_type3A_800 : vector<32x128xf32>
    %add3A_870 = arith.addf %mul3A_866, %mul3A_869 : vector<32x128xf32>
    %convert_element_type3A_871 = arith.truncf %add3A_839 : vector<32x128xf32> to vector<32x128xbf16>
    %convert_element_type3A_872 = arith.extf %convert_element_type3A_871 : vector<32x128xbf16> to vector<32x128xf32>
    %mul3A_873 = arith.mulf %convert_element_type3A_872, %convert_element_type3A_802 : vector<32x128xf32>
    %convert_element_type3A_874 = arith.truncf %add3A_846 : vector<32x128xf32> to vector<32x128xbf16>
    %convert_element_type3A_875 = arith.extf %convert_element_type3A_874 : vector<32x128xbf16> to vector<32x128xf32>
    %mul3A_876 = arith.mulf %convert_element_type3A_875, %convert_element_type3A_804 : vector<32x128xf32>
    %add3A_877 = arith.addf %mul3A_873, %mul3A_876 : vector<32x128xf32>
    %add3A_878 = arith.constant 3.000000e-01 : f32
    %add3A_879 = vector.broadcast %add3A_878 : f32 to vector<32x128xf32>
    %add3A_880 = arith.addf %add3A_877, %add3A_879 : vector<32x128xf32>
    %mul3A_881 = arith.mulf %add3A_856, %add3A_880 : vector<32x128xf32>
    %mul3A_882 = arith.mulf %add3A_863, %add3A_870 : vector<32x128xf32>
    %sub3A_883 = arith.subf %mul3A_881, %mul3A_882 : vector<32x128xf32>
    %max3A_884 = arith.constant 9.99999993E-9 : f32
    %max3A_885 = vector.broadcast %max3A_884 : f32 to vector<32x128xf32>
    %max3A_886 = arith.maximumf %sub3A_883, %max3A_885 : vector<32x128xf32>
    %sqrt3A_887 = math.sqrt %max3A_886 : vector<32x128xf32>
    %mul3A_888 = arith.constant 6.28318548 : f32
    %mul3A_889 = vector.broadcast %mul3A_888 : f32 to vector<32x128xf32>
    %mul3A_890 = arith.mulf %mul3A_889, %sqrt3A_887 : vector<32x128xf32>
    %get3A_891 = arith.constant 7 : index
    %get3A_892 = arith.constant 0 : index
    %get3A_893 = arith.constant 0 : index
    %get3A_894 = vector.load %arg3[%get3A_891, %get3A_892, %get3A_893] : memref<8x32x128xf32, #tpu.memory_space<vmem>>, vector<1x32x128xf32>
    %get3A_895 = vector.shape_cast %get3A_894 : vector<1x32x128xf32> to vector<32x128xf32>
    %logistic3A = arith.negf %get3A_895 : vector<32x128xf32>
    %logistic3A_896 = math.exp %logistic3A : vector<32x128xf32>
    %logistic3A_897 = arith.constant 1.000000e+00 : f32
    %logistic3A_898 = vector.broadcast %logistic3A_897 : f32 to vector<32x128xf32>
    %logistic3A_899 = arith.addf %logistic3A_898, %logistic3A_896 : vector<32x128xf32>
    %logistic3A_900 = arith.divf %logistic3A_898, %logistic3A_899 : vector<32x128xf32>
    %div3A_901 = arith.constant 2.560000e+02 : f32
    %div3A_902 = vector.broadcast %div3A_901 : f32 to vector<32x128xf32>
    %div3A_903 = arith.divf %mul3A_890, %div3A_902 : vector<32x128xf32>
    %jit3A = arith.constant 0.000000e+00 : f32
    %jit3A_904 = arith.constant 1.000000e+00 : f32
    %max3A_905 = vector.broadcast %jit3A : f32 to vector<32x128xf32>
    %max3A_906 = arith.maximumf %max3A_905, %div3A_903 : vector<32x128xf32>
    %min3A = vector.broadcast %jit3A_904 : f32 to vector<32x128xf32>
    %min3A_907 = arith.minimumf %min3A, %max3A_906 : vector<32x128xf32>
    %mul3A_908 = arith.mulf %logistic3A_900, %min3A_907 : vector<32x128xf32>
    %and3A_909 = arith.andi %lt3A_8, %and3A_127 : vector<32x128xi1>
    %jit3A_910 = arith.constant 0.000000e+00 : f32
    %broadcast_in_dim3A = vector.broadcast %jit3A_910 : f32 to vector<32x128xf32>
    %select_n3A = arith.select %and3A_909, %mul3A_908, %broadcast_in_dim3A : vector<32x128xi1>, vector<32x128xf32>
    %mul3A_911 = arith.mulf %add3A_48, %add3A_48 : vector<32x128xf32>
    %mul3A_912 = arith.mulf %add3A_72, %add3A_72 : vector<32x128xf32>
    %add3A_913 = arith.addf %mul3A_911, %mul3A_912 : vector<32x128xf32>
    %mul3A_914 = arith.mulf %add3A_96, %add3A_96 : vector<32x128xf32>
    %add3A_915 = arith.addf %add3A_913, %mul3A_914 : vector<32x128xf32>
    %sqrt3A_916 = math.sqrt %add3A_915 : vector<32x128xf32>
    %add3A_917 = arith.constant 9.99999993E-9 : f32
    %add3A_918 = vector.broadcast %add3A_917 : f32 to vector<32x128xf32>
    %add3A_919 = arith.addf %sqrt3A_916, %add3A_918 : vector<32x128xf32>
    %div3A_920 = arith.divf %add3A_48, %add3A_919 : vector<32x128xf32>
    %div3A_921 = arith.divf %add3A_72, %add3A_919 : vector<32x128xf32>
    %div3A_922 = arith.divf %add3A_96, %add3A_919 : vector<32x128xf32>
    %broadcast_in_dim3A_923 = arith.constant 0.282094806 : f32
    %broadcast_in_dim3A_924 = vector.broadcast %broadcast_in_dim3A_923 : f32 to vector<32x128xf32>
    %mul3A_925 = arith.constant -0.488602519 : f32
    %mul3A_926 = vector.broadcast %mul3A_925 : f32 to vector<32x128xf32>
    %mul3A_927 = arith.mulf %mul3A_926, %div3A_921 : vector<32x128xf32>
    %mul3A_928 = arith.constant 0.488602519 : f32
    %mul3A_929 = vector.broadcast %mul3A_928 : f32 to vector<32x128xf32>
    %mul3A_930 = arith.mulf %mul3A_929, %div3A_922 : vector<32x128xf32>
    %mul3A_931 = arith.constant -0.488602519 : f32
    %mul3A_932 = vector.broadcast %mul3A_931 : f32 to vector<32x128xf32>
    %mul3A_933 = arith.mulf %mul3A_932, %div3A_920 : vector<32x128xf32>
    %mul3A_934 = arith.constant 1.09254849 : f32
    %mul3A_935 = vector.broadcast %mul3A_934 : f32 to vector<32x128xf32>
    %mul3A_936 = arith.mulf %mul3A_935, %div3A_920 : vector<32x128xf32>
    %mul3A_937 = arith.mulf %mul3A_936, %div3A_921 : vector<32x128xf32>
    %mul3A_938 = arith.constant -1.09254849 : f32
    %mul3A_939 = vector.broadcast %mul3A_938 : f32 to vector<32x128xf32>
    %mul3A_940 = arith.mulf %mul3A_939, %div3A_921 : vector<32x128xf32>
    %mul3A_941 = arith.mulf %mul3A_940, %div3A_922 : vector<32x128xf32>
    %mul3A_942 = arith.constant 2.000000e+00 : f32
    %mul3A_943 = vector.broadcast %mul3A_942 : f32 to vector<32x128xf32>
    %mul3A_944 = arith.mulf %mul3A_943, %div3A_922 : vector<32x128xf32>
    %mul3A_945 = arith.mulf %mul3A_944, %div3A_922 : vector<32x128xf32>
    %mul3A_946 = arith.mulf %div3A_920, %div3A_920 : vector<32x128xf32>
    %sub3A_947 = arith.subf %mul3A_945, %mul3A_946 : vector<32x128xf32>
    %mul3A_948 = arith.mulf %div3A_921, %div3A_921 : vector<32x128xf32>
    %sub3A_949 = arith.subf %sub3A_947, %mul3A_948 : vector<32x128xf32>
    %mul3A_950 = arith.constant 0.31539157 : f32
    %mul3A_951 = vector.broadcast %mul3A_950 : f32 to vector<32x128xf32>
    %mul3A_952 = arith.mulf %mul3A_951, %sub3A_949 : vector<32x128xf32>
    %mul3A_953 = arith.constant -1.09254849 : f32
    %mul3A_954 = vector.broadcast %mul3A_953 : f32 to vector<32x128xf32>
    %mul3A_955 = arith.mulf %mul3A_954, %div3A_920 : vector<32x128xf32>
    %mul3A_956 = arith.mulf %mul3A_955, %div3A_922 : vector<32x128xf32>
    %mul3A_957 = arith.mulf %div3A_920, %div3A_920 : vector<32x128xf32>
    %mul3A_958 = arith.mulf %div3A_921, %div3A_921 : vector<32x128xf32>
    %sub3A_959 = arith.subf %mul3A_957, %mul3A_958 : vector<32x128xf32>
    %mul3A_960 = arith.constant 0.546274245 : f32
    %mul3A_961 = vector.broadcast %mul3A_960 : f32 to vector<32x128xf32>
    %mul3A_962 = arith.mulf %mul3A_961, %sub3A_959 : vector<32x128xf32>
    %convert_element_type3A_963 = arith.truncf %broadcast_in_dim3A_924 : vector<32x128xf32> to vector<32x128xbf16>
    %convert_element_type3A_964 = arith.extf %convert_element_type3A_963 : vector<32x128xbf16> to vector<32x128xf32>
    %convert_element_type3A_965 = arith.truncf %mul3A_927 : vector<32x128xf32> to vector<32x128xbf16>
    %convert_element_type3A_966 = arith.extf %convert_element_type3A_965 : vector<32x128xbf16> to vector<32x128xf32>
    %convert_element_type3A_967 = arith.truncf %mul3A_930 : vector<32x128xf32> to vector<32x128xbf16>
    %convert_element_type3A_968 = arith.extf %convert_element_type3A_967 : vector<32x128xbf16> to vector<32x128xf32>
    %convert_element_type3A_969 = arith.truncf %mul3A_933 : vector<32x128xf32> to vector<32x128xbf16>
    %convert_element_type3A_970 = arith.extf %convert_element_type3A_969 : vector<32x128xbf16> to vector<32x128xf32>
    %convert_element_type3A_971 = arith.truncf %mul3A_937 : vector<32x128xf32> to vector<32x128xbf16>
    %convert_element_type3A_972 = arith.extf %convert_element_type3A_971 : vector<32x128xbf16> to vector<32x128xf32>
    %convert_element_type3A_973 = arith.truncf %mul3A_941 : vector<32x128xf32> to vector<32x128xbf16>
    %convert_element_type3A_974 = arith.extf %convert_element_type3A_973 : vector<32x128xbf16> to vector<32x128xf32>
    %convert_element_type3A_975 = arith.truncf %mul3A_952 : vector<32x128xf32> to vector<32x128xbf16>
    %convert_element_type3A_976 = arith.extf %convert_element_type3A_975 : vector<32x128xbf16> to vector<32x128xf32>
    %convert_element_type3A_977 = arith.truncf %mul3A_956 : vector<32x128xf32> to vector<32x128xbf16>
    %convert_element_type3A_978 = arith.extf %convert_element_type3A_977 : vector<32x128xbf16> to vector<32x128xf32>
    %convert_element_type3A_979 = arith.truncf %mul3A_962 : vector<32x128xf32> to vector<32x128xbf16>
    %convert_element_type3A_980 = arith.extf %convert_element_type3A_979 : vector<32x128xbf16> to vector<32x128xf32>
    %get3A_981 = arith.constant 3 : index
    %get3A_982 = arith.constant 0 : index
    %get3A_983 = arith.constant 0 : index
    %get3A_984 = vector.load %arg2[%get3A_981, %get3A_982, %get3A_983] : memref<30x32x128xbf16, #tpu.memory_space<vmem>>, vector<1x32x128xbf16>
    %get3A_985 = vector.shape_cast %get3A_984 : vector<1x32x128xbf16> to vector<32x128xbf16>
    %convert_element_type3A_986 = arith.extf %get3A_985 : vector<32x128xbf16> to vector<32x128xf32>
    %mul3A_987 = arith.mulf %convert_element_type3A_986, %convert_element_type3A_964 : vector<32x128xf32>
    %get3A_988 = arith.constant 4 : index
    %get3A_989 = arith.constant 0 : index
    %get3A_990 = arith.constant 0 : index
    %get3A_991 = vector.load %arg2[%get3A_988, %get3A_989, %get3A_990] : memref<30x32x128xbf16, #tpu.memory_space<vmem>>, vector<1x32x128xbf16>
    %get3A_992 = vector.shape_cast %get3A_991 : vector<1x32x128xbf16> to vector<32x128xbf16>
    %convert_element_type3A_993 = arith.extf %get3A_992 : vector<32x128xbf16> to vector<32x128xf32>
    %mul3A_994 = arith.mulf %convert_element_type3A_993, %convert_element_type3A_966 : vector<32x128xf32>
    %add3A_995 = arith.addf %mul3A_987, %mul3A_994 : vector<32x128xf32>
    %get3A_996 = arith.constant 5 : index
    %get3A_997 = arith.constant 0 : index
    %get3A_998 = arith.constant 0 : index
    %get3A_999 = vector.load %arg2[%get3A_996, %get3A_997, %get3A_998] : memref<30x32x128xbf16, #tpu.memory_space<vmem>>, vector<1x32x128xbf16>
    %get3A_1000 = vector.shape_cast %get3A_999 : vector<1x32x128xbf16> to vector<32x128xbf16>
    %convert_element_type3A_1001 = arith.extf %get3A_1000 : vector<32x128xbf16> to vector<32x128xf32>
    %mul3A_1002 = arith.mulf %convert_element_type3A_1001, %convert_element_type3A_968 : vector<32x128xf32>
    %add3A_1003 = arith.addf %add3A_995, %mul3A_1002 : vector<32x128xf32>
    %get3A_1004 = arith.constant 6 : index
    %get3A_1005 = arith.constant 0 : index
    %get3A_1006 = arith.constant 0 : index
    %get3A_1007 = vector.load %arg2[%get3A_1004, %get3A_1005, %get3A_1006] : memref<30x32x128xbf16, #tpu.memory_space<vmem>>, vector<1x32x128xbf16>
    %get3A_1008 = vector.shape_cast %get3A_1007 : vector<1x32x128xbf16> to vector<32x128xbf16>
    %convert_element_type3A_1009 = arith.extf %get3A_1008 : vector<32x128xbf16> to vector<32x128xf32>
    %mul3A_1010 = arith.mulf %convert_element_type3A_1009, %convert_element_type3A_970 : vector<32x128xf32>
    %add3A_1011 = arith.addf %add3A_1003, %mul3A_1010 : vector<32x128xf32>
    %get3A_1012 = arith.constant 7 : index
    %get3A_1013 = arith.constant 0 : index
    %get3A_1014 = arith.constant 0 : index
    %get3A_1015 = vector.load %arg2[%get3A_1012, %get3A_1013, %get3A_1014] : memref<30x32x128xbf16, #tpu.memory_space<vmem>>, vector<1x32x128xbf16>
    %get3A_1016 = vector.shape_cast %get3A_1015 : vector<1x32x128xbf16> to vector<32x128xbf16>
    %convert_element_type3A_1017 = arith.extf %get3A_1016 : vector<32x128xbf16> to vector<32x128xf32>
    %mul3A_1018 = arith.mulf %convert_element_type3A_1017, %convert_element_type3A_972 : vector<32x128xf32>
    %add3A_1019 = arith.addf %add3A_1011, %mul3A_1018 : vector<32x128xf32>
    %get3A_1020 = arith.constant 8 : index
    %get3A_1021 = arith.constant 0 : index
    %get3A_1022 = arith.constant 0 : index
    %get3A_1023 = vector.load %arg2[%get3A_1020, %get3A_1021, %get3A_1022] : memref<30x32x128xbf16, #tpu.memory_space<vmem>>, vector<1x32x128xbf16>
    %get3A_1024 = vector.shape_cast %get3A_1023 : vector<1x32x128xbf16> to vector<32x128xbf16>
    %convert_element_type3A_1025 = arith.extf %get3A_1024 : vector<32x128xbf16> to vector<32x128xf32>
    %mul3A_1026 = arith.mulf %convert_element_type3A_1025, %convert_element_type3A_974 : vector<32x128xf32>
    %add3A_1027 = arith.addf %add3A_1019, %mul3A_1026 : vector<32x128xf32>
    %get3A_1028 = arith.constant 9 : index
    %get3A_1029 = arith.constant 0 : index
    %get3A_1030 = arith.constant 0 : index
    %get3A_1031 = vector.load %arg2[%get3A_1028, %get3A_1029, %get3A_1030] : memref<30x32x128xbf16, #tpu.memory_space<vmem>>, vector<1x32x128xbf16>
    %get3A_1032 = vector.shape_cast %get3A_1031 : vector<1x32x128xbf16> to vector<32x128xbf16>
    %convert_element_type3A_1033 = arith.extf %get3A_1032 : vector<32x128xbf16> to vector<32x128xf32>
    %mul3A_1034 = arith.mulf %convert_element_type3A_1033, %convert_element_type3A_976 : vector<32x128xf32>
    %add3A_1035 = arith.addf %add3A_1027, %mul3A_1034 : vector<32x128xf32>
    %get3A_1036 = arith.constant 10 : index
    %get3A_1037 = arith.constant 0 : index
    %get3A_1038 = arith.constant 0 : index
    %get3A_1039 = vector.load %arg2[%get3A_1036, %get3A_1037, %get3A_1038] : memref<30x32x128xbf16, #tpu.memory_space<vmem>>, vector<1x32x128xbf16>
    %get3A_1040 = vector.shape_cast %get3A_1039 : vector<1x32x128xbf16> to vector<32x128xbf16>
    %convert_element_type3A_1041 = arith.extf %get3A_1040 : vector<32x128xbf16> to vector<32x128xf32>
    %mul3A_1042 = arith.mulf %convert_element_type3A_1041, %convert_element_type3A_978 : vector<32x128xf32>
    %add3A_1043 = arith.addf %add3A_1035, %mul3A_1042 : vector<32x128xf32>
    %get3A_1044 = arith.constant 11 : index
    %get3A_1045 = arith.constant 0 : index
    %get3A_1046 = arith.constant 0 : index
    %get3A_1047 = vector.load %arg2[%get3A_1044, %get3A_1045, %get3A_1046] : memref<30x32x128xbf16, #tpu.memory_space<vmem>>, vector<1x32x128xbf16>
    %get3A_1048 = vector.shape_cast %get3A_1047 : vector<1x32x128xbf16> to vector<32x128xbf16>
    %convert_element_type3A_1049 = arith.extf %get3A_1048 : vector<32x128xbf16> to vector<32x128xf32>
    %mul3A_1050 = arith.mulf %convert_element_type3A_1049, %convert_element_type3A_980 : vector<32x128xf32>
    %add3A_1051 = arith.addf %add3A_1043, %mul3A_1050 : vector<32x128xf32>
    %logistic3A_1052 = arith.negf %add3A_1051 : vector<32x128xf32>
    %logistic3A_1053 = math.exp %logistic3A_1052 : vector<32x128xf32>
    %logistic3A_1054 = arith.constant 1.000000e+00 : f32
    %logistic3A_1055 = vector.broadcast %logistic3A_1054 : f32 to vector<32x128xf32>
    %logistic3A_1056 = arith.addf %logistic3A_1055, %logistic3A_1053 : vector<32x128xf32>
    %logistic3A_1057 = arith.divf %logistic3A_1055, %logistic3A_1056 : vector<32x128xf32>
    %mul3A_1058 = arith.mulf %select_n3A, %logistic3A_1057 : vector<32x128xf32>
    %jit3A_1059 = arith.constant 0.000000e+00 : f32
    %broadcast_in_dim3A_1060 = vector.broadcast %jit3A_1059 : f32 to vector<32x128xf32>
    %select_n3A_1061 = arith.select %lt3A_8, %mul3A_1058, %broadcast_in_dim3A_1060 : vector<32x128xi1>, vector<32x128xf32>
    %get3A_1062 = arith.constant 12 : index
    %get3A_1063 = arith.constant 0 : index
    %get3A_1064 = arith.constant 0 : index
    %get3A_1065 = vector.load %arg2[%get3A_1062, %get3A_1063, %get3A_1064] : memref<30x32x128xbf16, #tpu.memory_space<vmem>>, vector<1x32x128xbf16>
    %get3A_1066 = vector.shape_cast %get3A_1065 : vector<1x32x128xbf16> to vector<32x128xbf16>
    %convert_element_type3A_1067 = arith.extf %get3A_1066 : vector<32x128xbf16> to vector<32x128xf32>
    %mul3A_1068 = arith.mulf %convert_element_type3A_1067, %convert_element_type3A_964 : vector<32x128xf32>
    %get3A_1069 = arith.constant 13 : index
    %get3A_1070 = arith.constant 0 : index
    %get3A_1071 = arith.constant 0 : index
    %get3A_1072 = vector.load %arg2[%get3A_1069, %get3A_1070, %get3A_1071] : memref<30x32x128xbf16, #tpu.memory_space<vmem>>, vector<1x32x128xbf16>
    %get3A_1073 = vector.shape_cast %get3A_1072 : vector<1x32x128xbf16> to vector<32x128xbf16>
    %convert_element_type3A_1074 = arith.extf %get3A_1073 : vector<32x128xbf16> to vector<32x128xf32>
    %mul3A_1075 = arith.mulf %convert_element_type3A_1074, %convert_element_type3A_966 : vector<32x128xf32>
    %add3A_1076 = arith.addf %mul3A_1068, %mul3A_1075 : vector<32x128xf32>
    %get3A_1077 = arith.constant 14 : index
    %get3A_1078 = arith.constant 0 : index
    %get3A_1079 = arith.constant 0 : index
    %get3A_1080 = vector.load %arg2[%get3A_1077, %get3A_1078, %get3A_1079] : memref<30x32x128xbf16, #tpu.memory_space<vmem>>, vector<1x32x128xbf16>
    %get3A_1081 = vector.shape_cast %get3A_1080 : vector<1x32x128xbf16> to vector<32x128xbf16>
    %convert_element_type3A_1082 = arith.extf %get3A_1081 : vector<32x128xbf16> to vector<32x128xf32>
    %mul3A_1083 = arith.mulf %convert_element_type3A_1082, %convert_element_type3A_968 : vector<32x128xf32>
    %add3A_1084 = arith.addf %add3A_1076, %mul3A_1083 : vector<32x128xf32>
    %get3A_1085 = arith.constant 15 : index
    %get3A_1086 = arith.constant 0 : index
    %get3A_1087 = arith.constant 0 : index
    %get3A_1088 = vector.load %arg2[%get3A_1085, %get3A_1086, %get3A_1087] : memref<30x32x128xbf16, #tpu.memory_space<vmem>>, vector<1x32x128xbf16>
    %get3A_1089 = vector.shape_cast %get3A_1088 : vector<1x32x128xbf16> to vector<32x128xbf16>
    %convert_element_type3A_1090 = arith.extf %get3A_1089 : vector<32x128xbf16> to vector<32x128xf32>
    %mul3A_1091 = arith.mulf %convert_element_type3A_1090, %convert_element_type3A_970 : vector<32x128xf32>
    %add3A_1092 = arith.addf %add3A_1084, %mul3A_1091 : vector<32x128xf32>
    %get3A_1093 = arith.constant 16 : index
    %get3A_1094 = arith.constant 0 : index
    %get3A_1095 = arith.constant 0 : index
    %get3A_1096 = vector.load %arg2[%get3A_1093, %get3A_1094, %get3A_1095] : memref<30x32x128xbf16, #tpu.memory_space<vmem>>, vector<1x32x128xbf16>
    %get3A_1097 = vector.shape_cast %get3A_1096 : vector<1x32x128xbf16> to vector<32x128xbf16>
    %convert_element_type3A_1098 = arith.extf %get3A_1097 : vector<32x128xbf16> to vector<32x128xf32>
    %mul3A_1099 = arith.mulf %convert_element_type3A_1098, %convert_element_type3A_972 : vector<32x128xf32>
    %add3A_1100 = arith.addf %add3A_1092, %mul3A_1099 : vector<32x128xf32>
    %get3A_1101 = arith.constant 17 : index
    %get3A_1102 = arith.constant 0 : index
    %get3A_1103 = arith.constant 0 : index
    %get3A_1104 = vector.load %arg2[%get3A_1101, %get3A_1102, %get3A_1103] : memref<30x32x128xbf16, #tpu.memory_space<vmem>>, vector<1x32x128xbf16>
    %get3A_1105 = vector.shape_cast %get3A_1104 : vector<1x32x128xbf16> to vector<32x128xbf16>
    %convert_element_type3A_1106 = arith.extf %get3A_1105 : vector<32x128xbf16> to vector<32x128xf32>
    %mul3A_1107 = arith.mulf %convert_element_type3A_1106, %convert_element_type3A_974 : vector<32x128xf32>
    %add3A_1108 = arith.addf %add3A_1100, %mul3A_1107 : vector<32x128xf32>
    %get3A_1109 = arith.constant 18 : index
    %get3A_1110 = arith.constant 0 : index
    %get3A_1111 = arith.constant 0 : index
    %get3A_1112 = vector.load %arg2[%get3A_1109, %get3A_1110, %get3A_1111] : memref<30x32x128xbf16, #tpu.memory_space<vmem>>, vector<1x32x128xbf16>
    %get3A_1113 = vector.shape_cast %get3A_1112 : vector<1x32x128xbf16> to vector<32x128xbf16>
    %convert_element_type3A_1114 = arith.extf %get3A_1113 : vector<32x128xbf16> to vector<32x128xf32>
    %mul3A_1115 = arith.mulf %convert_element_type3A_1114, %convert_element_type3A_976 : vector<32x128xf32>
    %add3A_1116 = arith.addf %add3A_1108, %mul3A_1115 : vector<32x128xf32>
    %get3A_1117 = arith.constant 19 : index
    %get3A_1118 = arith.constant 0 : index
    %get3A_1119 = arith.constant 0 : index
    %get3A_1120 = vector.load %arg2[%get3A_1117, %get3A_1118, %get3A_1119] : memref<30x32x128xbf16, #tpu.memory_space<vmem>>, vector<1x32x128xbf16>
    %get3A_1121 = vector.shape_cast %get3A_1120 : vector<1x32x128xbf16> to vector<32x128xbf16>
    %convert_element_type3A_1122 = arith.extf %get3A_1121 : vector<32x128xbf16> to vector<32x128xf32>
    %mul3A_1123 = arith.mulf %convert_element_type3A_1122, %convert_element_type3A_978 : vector<32x128xf32>
    %add3A_1124 = arith.addf %add3A_1116, %mul3A_1123 : vector<32x128xf32>
    %get3A_1125 = arith.constant 20 : index
    %get3A_1126 = arith.constant 0 : index
    %get3A_1127 = arith.constant 0 : index
    %get3A_1128 = vector.load %arg2[%get3A_1125, %get3A_1126, %get3A_1127] : memref<30x32x128xbf16, #tpu.memory_space<vmem>>, vector<1x32x128xbf16>
    %get3A_1129 = vector.shape_cast %get3A_1128 : vector<1x32x128xbf16> to vector<32x128xbf16>
    %convert_element_type3A_1130 = arith.extf %get3A_1129 : vector<32x128xbf16> to vector<32x128xf32>
    %mul3A_1131 = arith.mulf %convert_element_type3A_1130, %convert_element_type3A_980 : vector<32x128xf32>
    %add3A_1132 = arith.addf %add3A_1124, %mul3A_1131 : vector<32x128xf32>
    %logistic3A_1133 = arith.negf %add3A_1132 : vector<32x128xf32>
    %logistic3A_1134 = math.exp %logistic3A_1133 : vector<32x128xf32>
    %logistic3A_1135 = arith.constant 1.000000e+00 : f32
    %logistic3A_1136 = vector.broadcast %logistic3A_1135 : f32 to vector<32x128xf32>
    %logistic3A_1137 = arith.addf %logistic3A_1136, %logistic3A_1134 : vector<32x128xf32>
    %logistic3A_1138 = arith.divf %logistic3A_1136, %logistic3A_1137 : vector<32x128xf32>
    %mul3A_1139 = arith.mulf %select_n3A, %logistic3A_1138 : vector<32x128xf32>
    %jit3A_1140 = arith.constant 0.000000e+00 : f32
    %broadcast_in_dim3A_1141 = vector.broadcast %jit3A_1140 : f32 to vector<32x128xf32>
    %select_n3A_1142 = arith.select %lt3A_8, %mul3A_1139, %broadcast_in_dim3A_1141 : vector<32x128xi1>, vector<32x128xf32>
    %get3A_1143 = arith.constant 21 : index
    %get3A_1144 = arith.constant 0 : index
    %get3A_1145 = arith.constant 0 : index
    %get3A_1146 = vector.load %arg2[%get3A_1143, %get3A_1144, %get3A_1145] : memref<30x32x128xbf16, #tpu.memory_space<vmem>>, vector<1x32x128xbf16>
    %get3A_1147 = vector.shape_cast %get3A_1146 : vector<1x32x128xbf16> to vector<32x128xbf16>
    %convert_element_type3A_1148 = arith.extf %get3A_1147 : vector<32x128xbf16> to vector<32x128xf32>
    %mul3A_1149 = arith.mulf %convert_element_type3A_1148, %convert_element_type3A_964 : vector<32x128xf32>
    %get3A_1150 = arith.constant 22 : index
    %get3A_1151 = arith.constant 0 : index
    %get3A_1152 = arith.constant 0 : index
    %get3A_1153 = vector.load %arg2[%get3A_1150, %get3A_1151, %get3A_1152] : memref<30x32x128xbf16, #tpu.memory_space<vmem>>, vector<1x32x128xbf16>
    %get3A_1154 = vector.shape_cast %get3A_1153 : vector<1x32x128xbf16> to vector<32x128xbf16>
    %convert_element_type3A_1155 = arith.extf %get3A_1154 : vector<32x128xbf16> to vector<32x128xf32>
    %mul3A_1156 = arith.mulf %convert_element_type3A_1155, %convert_element_type3A_966 : vector<32x128xf32>
    %add3A_1157 = arith.addf %mul3A_1149, %mul3A_1156 : vector<32x128xf32>
    %get3A_1158 = arith.constant 23 : index
    %get3A_1159 = arith.constant 0 : index
    %get3A_1160 = arith.constant 0 : index
    %get3A_1161 = vector.load %arg2[%get3A_1158, %get3A_1159, %get3A_1160] : memref<30x32x128xbf16, #tpu.memory_space<vmem>>, vector<1x32x128xbf16>
    %get3A_1162 = vector.shape_cast %get3A_1161 : vector<1x32x128xbf16> to vector<32x128xbf16>
    %convert_element_type3A_1163 = arith.extf %get3A_1162 : vector<32x128xbf16> to vector<32x128xf32>
    %mul3A_1164 = arith.mulf %convert_element_type3A_1163, %convert_element_type3A_968 : vector<32x128xf32>
    %add3A_1165 = arith.addf %add3A_1157, %mul3A_1164 : vector<32x128xf32>
    %get3A_1166 = arith.constant 24 : index
    %get3A_1167 = arith.constant 0 : index
    %get3A_1168 = arith.constant 0 : index
    %get3A_1169 = vector.load %arg2[%get3A_1166, %get3A_1167, %get3A_1168] : memref<30x32x128xbf16, #tpu.memory_space<vmem>>, vector<1x32x128xbf16>
    %get3A_1170 = vector.shape_cast %get3A_1169 : vector<1x32x128xbf16> to vector<32x128xbf16>
    %convert_element_type3A_1171 = arith.extf %get3A_1170 : vector<32x128xbf16> to vector<32x128xf32>
    %mul3A_1172 = arith.mulf %convert_element_type3A_1171, %convert_element_type3A_970 : vector<32x128xf32>
    %add3A_1173 = arith.addf %add3A_1165, %mul3A_1172 : vector<32x128xf32>
    %get3A_1174 = arith.constant 25 : index
    %get3A_1175 = arith.constant 0 : index
    %get3A_1176 = arith.constant 0 : index
    %get3A_1177 = vector.load %arg2[%get3A_1174, %get3A_1175, %get3A_1176] : memref<30x32x128xbf16, #tpu.memory_space<vmem>>, vector<1x32x128xbf16>
    %get3A_1178 = vector.shape_cast %get3A_1177 : vector<1x32x128xbf16> to vector<32x128xbf16>
    %convert_element_type3A_1179 = arith.extf %get3A_1178 : vector<32x128xbf16> to vector<32x128xf32>
    %mul3A_1180 = arith.mulf %convert_element_type3A_1179, %convert_element_type3A_972 : vector<32x128xf32>
    %add3A_1181 = arith.addf %add3A_1173, %mul3A_1180 : vector<32x128xf32>
    %get3A_1182 = arith.constant 26 : index
    %get3A_1183 = arith.constant 0 : index
    %get3A_1184 = arith.constant 0 : index
    %get3A_1185 = vector.load %arg2[%get3A_1182, %get3A_1183, %get3A_1184] : memref<30x32x128xbf16, #tpu.memory_space<vmem>>, vector<1x32x128xbf16>
    %get3A_1186 = vector.shape_cast %get3A_1185 : vector<1x32x128xbf16> to vector<32x128xbf16>
    %convert_element_type3A_1187 = arith.extf %get3A_1186 : vector<32x128xbf16> to vector<32x128xf32>
    %mul3A_1188 = arith.mulf %convert_element_type3A_1187, %convert_element_type3A_974 : vector<32x128xf32>
    %add3A_1189 = arith.addf %add3A_1181, %mul3A_1188 : vector<32x128xf32>
    %get3A_1190 = arith.constant 27 : index
    %get3A_1191 = arith.constant 0 : index
    %get3A_1192 = arith.constant 0 : index
    %get3A_1193 = vector.load %arg2[%get3A_1190, %get3A_1191, %get3A_1192] : memref<30x32x128xbf16, #tpu.memory_space<vmem>>, vector<1x32x128xbf16>
    %get3A_1194 = vector.shape_cast %get3A_1193 : vector<1x32x128xbf16> to vector<32x128xbf16>
    %convert_element_type3A_1195 = arith.extf %get3A_1194 : vector<32x128xbf16> to vector<32x128xf32>
    %mul3A_1196 = arith.mulf %convert_element_type3A_1195, %convert_element_type3A_976 : vector<32x128xf32>
    %add3A_1197 = arith.addf %add3A_1189, %mul3A_1196 : vector<32x128xf32>
    %get3A_1198 = arith.constant 28 : index
    %get3A_1199 = arith.constant 0 : index
    %get3A_1200 = arith.constant 0 : index
    %get3A_1201 = vector.load %arg2[%get3A_1198, %get3A_1199, %get3A_1200] : memref<30x32x128xbf16, #tpu.memory_space<vmem>>, vector<1x32x128xbf16>
    %get3A_1202 = vector.shape_cast %get3A_1201 : vector<1x32x128xbf16> to vector<32x128xbf16>
    %convert_element_type3A_1203 = arith.extf %get3A_1202 : vector<32x128xbf16> to vector<32x128xf32>
    %mul3A_1204 = arith.mulf %convert_element_type3A_1203, %convert_element_type3A_978 : vector<32x128xf32>
    %add3A_1205 = arith.addf %add3A_1197, %mul3A_1204 : vector<32x128xf32>
    %get3A_1206 = arith.constant 29 : index
    %get3A_1207 = arith.constant 0 : index
    %get3A_1208 = arith.constant 0 : index
    %get3A_1209 = vector.load %arg2[%get3A_1206, %get3A_1207, %get3A_1208] : memref<30x32x128xbf16, #tpu.memory_space<vmem>>, vector<1x32x128xbf16>
    %get3A_1210 = vector.shape_cast %get3A_1209 : vector<1x32x128xbf16> to vector<32x128xbf16>
    %convert_element_type3A_1211 = arith.extf %get3A_1210 : vector<32x128xbf16> to vector<32x128xf32>
    %mul3A_1212 = arith.mulf %convert_element_type3A_1211, %convert_element_type3A_980 : vector<32x128xf32>
    %add3A_1213 = arith.addf %add3A_1205, %mul3A_1212 : vector<32x128xf32>
    %logistic3A_1214 = arith.negf %add3A_1213 : vector<32x128xf32>
    %logistic3A_1215 = math.exp %logistic3A_1214 : vector<32x128xf32>
    %logistic3A_1216 = arith.constant 1.000000e+00 : f32
    %logistic3A_1217 = vector.broadcast %logistic3A_1216 : f32 to vector<32x128xf32>
    %logistic3A_1218 = arith.addf %logistic3A_1217, %logistic3A_1215 : vector<32x128xf32>
    %logistic3A_1219 = arith.divf %logistic3A_1217, %logistic3A_1218 : vector<32x128xf32>
    %mul3A_1220 = arith.mulf %select_n3A, %logistic3A_1219 : vector<32x128xf32>
    %jit3A_1221 = arith.constant 0.000000e+00 : f32
    %broadcast_in_dim3A_1222 = vector.broadcast %jit3A_1221 : f32 to vector<32x128xf32>
    %select_n3A_1223 = arith.select %lt3A_8, %mul3A_1220, %broadcast_in_dim3A_1222 : vector<32x128xi1>, vector<32x128xf32>
    %div3A_1224 = arith.constant 1.600000e+01 : f32
    %div3A_1225 = vector.broadcast %div3A_1224 : f32 to vector<32x128xf32>
    %div3A_1226 = arith.divf %add3A_111, %div3A_1225 : vector<32x128xf32>
    %floor3A = math.floor %div3A_1226 : vector<32x128xf32>
    %convert_element_type3A_1227 = arith.fptosi %floor3A : vector<32x128xf32> to vector<32x128xi32>
    %jit3A_1228 = arith.constant 0 : i32
    %jit3A_1229 = arith.constant 31 : i32
    %max3A_1230 = vector.broadcast %jit3A_1228 : i32 to vector<32x128xi32>
    %max3A_1231 = arith.maxsi %max3A_1230, %convert_element_type3A_1227 : vector<32x128xi32>
    %min3A_1232 = vector.broadcast %jit3A_1229 : i32 to vector<32x128xi32>
    %min3A_1233 = arith.minsi %min3A_1232, %max3A_1231 : vector<32x128xi32>
    %div3A_1234 = arith.constant 1.600000e+01 : f32
    %div3A_1235 = vector.broadcast %div3A_1234 : f32 to vector<32x128xf32>
    %div3A_1236 = arith.divf %add3A_104, %div3A_1235 : vector<32x128xf32>
    %floor3A_1237 = math.floor %div3A_1236 : vector<32x128xf32>
    %convert_element_type3A_1238 = arith.fptosi %floor3A_1237 : vector<32x128xf32> to vector<32x128xi32>
    %jit3A_1239 = arith.constant 0 : i32
    %jit3A_1240 = arith.constant 31 : i32
    %max3A_1241 = vector.broadcast %jit3A_1239 : i32 to vector<32x128xi32>
    %max3A_1242 = arith.maxsi %max3A_1241, %convert_element_type3A_1238 : vector<32x128xi32>
    %min3A_1243 = vector.broadcast %jit3A_1240 : i32 to vector<32x128xi32>
    %min3A_1244 = arith.minsi %min3A_1243, %max3A_1242 : vector<32x128xi32>
    %mul3A_1245 = arith.constant 32 : i32
    %mul3A_1246 = vector.broadcast %mul3A_1245 : i32 to vector<32x128xi32>
    %mul3A_1247 = arith.muli %min3A_1233, %mul3A_1246 : vector<32x128xi32>
    %add3A_1248 = arith.addi %mul3A_1247, %min3A_1244 : vector<32x128xi32>
    %jit3A_1249 = arith.constant 0 : i32
    %broadcast_in_dim3A_1250 = vector.broadcast %jit3A_1249 : i32 to vector<32x128xi32>
    %select_n3A_1251 = arith.select %lt3A_8, %add3A_1248, %broadcast_in_dim3A_1250 : vector<32x128xi1>, vector<32x128xi32>
    %jit3A_1252 = arith.constant 0 : i32
    %jit3A_1253 = arith.constant 1023 : i32
    %max3A_1254 = vector.broadcast %jit3A_1252 : i32 to vector<32x128xi32>
    %max3A_1255 = arith.maxsi %max3A_1254, %select_n3A_1251 : vector<32x128xi32>
    %min3A_1256 = vector.broadcast %jit3A_1253 : i32 to vector<32x128xi32>
    %min3A_1257 = arith.minsi %min3A_1256, %max3A_1255 : vector<32x128xi32>
    %swap3A = arith.constant 0 : index
    %swap3A_1258 = arith.constant 0 : index
    %swap3A_1259 = vector.load %arg4[%swap3A, %swap3A_1258] : memref<32x128xi32, #tpu.memory_space<vmem>>, vector<32x128xi32>
    tpu.vector_store %arg4[%swap3A, %swap3A_1258], %min3A_1257 {strides = array<i32>} : memref<32x128xi32, #tpu.memory_space<vmem>>, vector<32x128xi32>,
    %swap3A_1260 = arith.constant 0 : index
    %swap3A_1261 = arith.constant 0 : index
    %swap3A_1262 = vector.load %arg5[%swap3A_1260, %swap3A_1261] : memref<32x128xf32, #tpu.memory_space<vmem>>, vector<32x128xf32>
    tpu.vector_store %arg5[%swap3A_1260, %swap3A_1261], %select_n3A {strides = array<i32>} : memref<32x128xf32, #tpu.memory_space<vmem>>, vector<32x128xf32>,
    %swap3A_1263 = arith.constant 0 : index
    %swap3A_1264 = arith.constant 0 : index
    %swap3A_1265 = vector.load %arg6[%swap3A_1263, %swap3A_1264] : memref<32x128xf32, #tpu.memory_space<vmem>>, vector<32x128xf32>
    tpu.vector_store %arg6[%swap3A_1263, %swap3A_1264], %select_n3A_1061 {strides = array<i32>} : memref<32x128xf32, #tpu.memory_space<vmem>>, vector<32x128xf32>,
    %swap3A_1266 = arith.constant 0 : index
    %swap3A_1267 = arith.constant 0 : index
    %swap3A_1268 = vector.load %arg7[%swap3A_1266, %swap3A_1267] : memref<32x128xf32, #tpu.memory_space<vmem>>, vector<32x128xf32>
    tpu.vector_store %arg7[%swap3A_1266, %swap3A_1267], %select_n3A_1142 {strides = array<i32>} : memref<32x128xf32, #tpu.memory_space<vmem>>, vector<32x128xf32>,
    %swap3A_1269 = arith.constant 0 : index
    %swap3A_1270 = arith.constant 0 : index
    %swap3A_1271 = vector.load %arg8[%swap3A_1269, %swap3A_1270] : memref<32x128xf32, #tpu.memory_space<vmem>>, vector<32x128xf32>
    tpu.vector_store %arg8[%swap3A_1269, %swap3A_1270], %select_n3A_1223 {strides = array<i32>} : memref<32x128xf32, #tpu.memory_space<vmem>>, vector<32x128xf32>,
    return
  }
  func.func @transform_0(%arg0: i32) -> i32 {
    %c0_i32 = arith.constant 0 : i32
    %c0_i32_0 = arith.constant 0 : i32
    return %c0_i32 : i32
  }
  func.func @transform_1(%arg0: i32) -> (i32, i32, i32) {
    %c0_i32 = arith.constant 0 : i32
    %c0_i32_0 = arith.constant 0 : i32
    %c0_i32_1 = arith.constant 0 : i32
    return %c0_i32, %arg0, %c0_i32_0 : i32, i32, i32
  }
  func.func @transform_2(%arg0: i32) -> (i32, i32, i32) {
    %c0_i32 = arith.constant 0 : i32
    %c0_i32_0 = arith.constant 0 : i32
    %c0_i32_1 = arith.constant 0 : i32
    return %c0_i32, %arg0, %c0_i32_0 : i32, i32, i32
  }
  func.func @transform_3(%arg0: i32) -> (i32, i32) {
    %c0_i32 = arith.constant 0 : i32
    %c0_i32_0 = arith.constant 0 : i32
    return %arg0, %c0_i32 : i32, i32
  }
  func.func @transform_4(%arg0: i32) -> (i32, i32) {
    %c0_i32 = arith.constant 0 : i32
    %c0_i32_0 = arith.constant 0 : i32
    return %arg0, %c0_i32 : i32, i32
  }
  func.func @transform_5(%arg0: i32) -> (i32, i32) {
    %c0_i32 = arith.constant 0 : i32
    %c0_i32_0 = arith.constant 0 : i32
    return %arg0, %c0_i32 : i32, i32
  }
  func.func @transform_6(%arg0: i32) -> (i32, i32) {
    %c0_i32 = arith.constant 0 : i32
    %c0_i32_0 = arith.constant 0 : i32
    return %arg0, %c0_i32 : i32, i32
  }
  func.func @transform_7(%arg0: i32) -> (i32, i32) {
    %c0_i32 = arith.constant 0 : i32
    %c0_i32_0 = arith.constant 0 : i32
    return %arg0, %c0_i32 : i32, i32
  }
}

module attributes {stable_mosaic.version = 14 : i64} {
  func.func @_finish_body(%arg0: memref<2x4x32x32xf32, #tpu.memory_space<vmem>>, %arg1: memref<512x1536xf32, #tpu.memory_space<vmem>>) attributes {dimension_semantics = [], scalar_prefetch = 0 : i64, scratch_operands = 0 : i64, tpu.core_type = #tpu.core_type<tc>} {
    %get3A = arith.constant 0 : index
    %get3A_0 = arith.constant 0 : index
    %get3A_1 = arith.constant 0 : index
    %get3A_2 = arith.constant 0 : index
    %get3A_3 = vector.load %arg0[%get3A, %get3A_0, %get3A_1, %get3A_2] : memref<2x4x32x32xf32, #tpu.memory_space<vmem>>, vector<1x4x32x32xf32>
    %get3A_4 = vector.shape_cast %get3A_3 : vector<1x4x32x32xf32> to vector<4x32x32xf32>
    %get3A_5 = arith.constant 1 : index
    %get3A_6 = arith.constant 0 : index
    %get3A_7 = arith.constant 0 : index
    %get3A_8 = arith.constant 0 : index
    %get3A_9 = vector.load %arg0[%get3A_5, %get3A_6, %get3A_7, %get3A_8] : memref<2x4x32x32xf32, #tpu.memory_space<vmem>>, vector<1x4x32x32xf32>
    %get3A_10 = vector.shape_cast %get3A_9 : vector<1x4x32x32xf32> to vector<4x32x32xf32>
    %add3A = arith.addf %get3A_4, %get3A_10 : vector<4x32x32xf32>
    %slice3A = vector.extract_strided_slice %add3A {offsets = [0, 0, 0], sizes = [1, 32, 32], strides = [1, 1, 1]} : vector<4x32x32xf32> to vector<1x32x32xf32>
    %squeeze3A = vector.shape_cast %slice3A : vector<1x32x32xf32> to vector<32x32xf32>
    %add3A_11 = arith.constant 9.99999997E-7 : f32
    %add3A_12 = vector.broadcast %add3A_11 : f32 to vector<32x32xf32>
    %add3A_13 = arith.addf %squeeze3A, %add3A_12 : vector<32x32xf32>
    %div3A = arith.constant 1.000000e+00 : f32
    %div3A_14 = vector.broadcast %div3A : f32 to vector<32x32xf32>
    %div3A_15 = arith.divf %div3A_14, %add3A_13 : vector<32x32xf32>
    %iota3A = tpu.iota {dimensions = array<i32: 1>} : vector<32x1536xi32>
    %iota3A_16 = tpu.iota {dimensions = array<i32: 0>} : vector<32x1536xi32>
    %broadcast_in_dim3A = arith.constant 0.000000e+00 : f32
    %broadcast_in_dim3A_17 = vector.broadcast %broadcast_in_dim3A : f32 to vector<32x1536xf32>
    %slice3A_18 = vector.extract_strided_slice %add3A {offsets = [1, 0, 0], sizes = [1, 32, 32], strides = [1, 1, 1]} : vector<4x32x32xf32> to vector<1x32x32xf32>
    %squeeze3A_19 = vector.shape_cast %slice3A_18 : vector<1x32x32xf32> to vector<32x32xf32>
    %mul3A = arith.mulf %squeeze3A_19, %div3A_15 : vector<32x32xf32>
    %jit3A = arith.constant 3 : i32
    %eq3A = arith.constant 0 : i32
    %eq3A_20 = arith.cmpi eq, %jit3A, %eq3A : i32
    %jit3A_21 = arith.constant 1 : i32
    %select_n3A = arith.select %eq3A_20, %jit3A_21, %jit3A : i32
    %rem3A = vector.broadcast %select_n3A : i32 to vector<32x1536xi32>
    %rem3A_22 = arith.remsi %iota3A, %rem3A : vector<32x1536xi32>
    %ne3A = arith.constant 0 : i32
    %ne3A_23 = vector.broadcast %ne3A : i32 to vector<32x1536xi32>
    %ne3A_24 = arith.cmpi ne, %rem3A_22, %ne3A_23 : vector<32x1536xi32>
    %lt3A = arith.constant 0 : i32
    %lt3A_25 = vector.broadcast %lt3A : i32 to vector<32x1536xi32>
    %lt3A_26 = arith.cmpi slt, %rem3A_22, %lt3A_25 : vector<32x1536xi32>
    %lt3A_27 = arith.constant 0 : i32
    %lt3A_28 = arith.cmpi slt, %select_n3A, %lt3A_27 : i32
    %ne3A_29 = vector.broadcast %lt3A_28 : i1 to vector<32x1536xi1>
    %ne3A_30 = vector.broadcast %ne3A_29 : vector<32x1536xi1> to vector<32x1536xi1>
    %ne3A_31 = arith.xori %lt3A_26, %ne3A_30 : vector<32x1536xi1>
    %and3A = arith.andi %ne3A_31, %ne3A_24 : vector<32x1536xi1>
    %add3A_32 = vector.broadcast %select_n3A : i32 to vector<32x1536xi32>
    %add3A_33 = arith.addi %rem3A_22, %add3A_32 : vector<32x1536xi32>
    %select_n3A_34 = arith.select %and3A, %add3A_33, %rem3A_22 : vector<32x1536xi1>, vector<32x1536xi32>
    %eq3A_35 = arith.constant 0 : i32
    %eq3A_36 = vector.broadcast %eq3A_35 : i32 to vector<32x1536xi32>
    %eq3A_37 = arith.cmpi eq, %select_n3A_34, %eq3A_36 : vector<32x1536xi32>
    %jit3A_38 = arith.constant 48 : i32
    %div3A_39 = vector.broadcast %jit3A_38 : i32 to vector<32x1536xi32>
    %div3A_40 = arith.divsi %iota3A, %div3A_39 : vector<32x1536xi32>
    %sign3A = arith.constant 0 : i32
    %sign3A_41 = vector.broadcast %sign3A : i32 to vector<32x1536xi32>
    %sign3A_42 = arith.cmpi sgt, %iota3A, %sign3A_41 : vector<32x1536xi32>
    %sign3A_43 = arith.extui %sign3A_42 : vector<32x1536xi1> to vector<32x1536xi32>
    %sign3A_44 = arith.constant 0 : i32
    %sign3A_45 = vector.broadcast %sign3A_44 : i32 to vector<32x1536xi32>
    %sign3A_46 = arith.cmpi slt, %iota3A, %sign3A_45 : vector<32x1536xi32>
    %sign3A_47 = arith.extui %sign3A_46 : vector<32x1536xi1> to vector<32x1536xi32>
    %sign3A_48 = arith.subi %sign3A_43, %sign3A_47 : vector<32x1536xi32>
    %sign3A_49 = arith.constant 0 : i32
    %sign3A_50 = arith.cmpi sgt, %jit3A_38, %sign3A_49 : i32
    %sign3A_51 = arith.extui %sign3A_50 : i1 to i32
    %sign3A_52 = arith.constant 0 : i32
    %sign3A_53 = arith.cmpi slt, %jit3A_38, %sign3A_52 : i32
    %sign3A_54 = arith.extui %sign3A_53 : i1 to i32
    %sign3A_55 = arith.subi %sign3A_51, %sign3A_54 : i32
    %ne3A_56 = vector.broadcast %sign3A_55 : i32 to vector<32x1536xi32>
    %ne3A_57 = arith.cmpi ne, %sign3A_48, %ne3A_56 : vector<32x1536xi32>
    %rem3A_58 = vector.broadcast %jit3A_38 : i32 to vector<32x1536xi32>
    %rem3A_59 = arith.remsi %iota3A, %rem3A_58 : vector<32x1536xi32>
    %ne3A_60 = arith.constant 0 : i32
    %ne3A_61 = vector.broadcast %ne3A_60 : i32 to vector<32x1536xi32>
    %ne3A_62 = arith.cmpi ne, %rem3A_59, %ne3A_61 : vector<32x1536xi32>
    %and3A_63 = arith.andi %ne3A_57, %ne3A_62 : vector<32x1536xi1>
    %sub3A = arith.constant 1 : i32
    %sub3A_64 = vector.broadcast %sub3A : i32 to vector<32x1536xi32>
    %sub3A_65 = arith.subi %div3A_40, %sub3A_64 : vector<32x1536xi32>
    %select_n3A_66 = arith.select %and3A_63, %sub3A_65, %div3A_40 : vector<32x1536xi1>, vector<32x1536xi32>
    %eq3A_67 = arith.cmpi eq, %select_n3A_66, %iota3A_16 : vector<32x1536xi32>
    %and3A_68 = arith.andi %eq3A_37, %eq3A_67 : vector<32x1536xi1>
    %convert_element_type3A = arith.extui %and3A_68 : vector<32x1536xi1> to vector<32x1536xi32>
    %convert_element_type3A_69 = arith.sitofp %convert_element_type3A : vector<32x1536xi32> to vector<32x1536xf32>
    %dot_general3A = arith.constant dense<0.000000e+00> : vector<32x1536xf32>
    %dot_general3A_70 = tpu.matmul %mul3A, %convert_element_type3A_69, %dot_general3A {dimension_numbers = #tpu.dot_dimension_numbers<[1], [0], [0], [1], [0, 0, 1, 1], [], []>, precision = #tpu.contract_precision<fp32>, transpose_lhs_hint = false} : vector<32x32xf32>, vector<32x1536xf32>, vector<32x1536xf32> -> vector<32x1536xf32>
    %add3A_71 = arith.addf %broadcast_in_dim3A_17, %dot_general3A_70 : vector<32x1536xf32>
    %slice3A_72 = vector.extract_strided_slice %add3A {offsets = [2, 0, 0], sizes = [1, 32, 32], strides = [1, 1, 1]} : vector<4x32x32xf32> to vector<1x32x32xf32>
    %squeeze3A_73 = vector.shape_cast %slice3A_72 : vector<1x32x32xf32> to vector<32x32xf32>
    %mul3A_74 = arith.mulf %squeeze3A_73, %div3A_15 : vector<32x32xf32>
    %jit3A_75 = arith.constant 3 : i32
    %eq3A_76 = arith.constant 0 : i32
    %eq3A_77 = arith.cmpi eq, %jit3A_75, %eq3A_76 : i32
    %jit3A_78 = arith.constant 1 : i32
    %select_n3A_79 = arith.select %eq3A_77, %jit3A_78, %jit3A_75 : i32
    %rem3A_80 = vector.broadcast %select_n3A_79 : i32 to vector<32x1536xi32>
    %rem3A_81 = arith.remsi %iota3A, %rem3A_80 : vector<32x1536xi32>
    %ne3A_82 = arith.constant 0 : i32
    %ne3A_83 = vector.broadcast %ne3A_82 : i32 to vector<32x1536xi32>
    %ne3A_84 = arith.cmpi ne, %rem3A_81, %ne3A_83 : vector<32x1536xi32>
    %lt3A_85 = arith.constant 0 : i32
    %lt3A_86 = vector.broadcast %lt3A_85 : i32 to vector<32x1536xi32>
    %lt3A_87 = arith.cmpi slt, %rem3A_81, %lt3A_86 : vector<32x1536xi32>
    %lt3A_88 = arith.constant 0 : i32
    %lt3A_89 = arith.cmpi slt, %select_n3A_79, %lt3A_88 : i32
    %ne3A_90 = vector.broadcast %lt3A_89 : i1 to vector<32x1536xi1>
    %ne3A_91 = vector.broadcast %ne3A_90 : vector<32x1536xi1> to vector<32x1536xi1>
    %ne3A_92 = arith.xori %lt3A_87, %ne3A_91 : vector<32x1536xi1>
    %and3A_93 = arith.andi %ne3A_92, %ne3A_84 : vector<32x1536xi1>
    %add3A_94 = vector.broadcast %select_n3A_79 : i32 to vector<32x1536xi32>
    %add3A_95 = arith.addi %rem3A_81, %add3A_94 : vector<32x1536xi32>
    %select_n3A_96 = arith.select %and3A_93, %add3A_95, %rem3A_81 : vector<32x1536xi1>, vector<32x1536xi32>
    %eq3A_97 = arith.constant 1 : i32
    %eq3A_98 = vector.broadcast %eq3A_97 : i32 to vector<32x1536xi32>
    %eq3A_99 = arith.cmpi eq, %select_n3A_96, %eq3A_98 : vector<32x1536xi32>
    %jit3A_100 = arith.constant 48 : i32
    %div3A_101 = vector.broadcast %jit3A_100 : i32 to vector<32x1536xi32>
    %div3A_102 = arith.divsi %iota3A, %div3A_101 : vector<32x1536xi32>
    %sign3A_103 = arith.constant 0 : i32
    %sign3A_104 = vector.broadcast %sign3A_103 : i32 to vector<32x1536xi32>
    %sign3A_105 = arith.cmpi sgt, %iota3A, %sign3A_104 : vector<32x1536xi32>
    %sign3A_106 = arith.extui %sign3A_105 : vector<32x1536xi1> to vector<32x1536xi32>
    %sign3A_107 = arith.constant 0 : i32
    %sign3A_108 = vector.broadcast %sign3A_107 : i32 to vector<32x1536xi32>
    %sign3A_109 = arith.cmpi slt, %iota3A, %sign3A_108 : vector<32x1536xi32>
    %sign3A_110 = arith.extui %sign3A_109 : vector<32x1536xi1> to vector<32x1536xi32>
    %sign3A_111 = arith.subi %sign3A_106, %sign3A_110 : vector<32x1536xi32>
    %sign3A_112 = arith.constant 0 : i32
    %sign3A_113 = arith.cmpi sgt, %jit3A_100, %sign3A_112 : i32
    %sign3A_114 = arith.extui %sign3A_113 : i1 to i32
    %sign3A_115 = arith.constant 0 : i32
    %sign3A_116 = arith.cmpi slt, %jit3A_100, %sign3A_115 : i32
    %sign3A_117 = arith.extui %sign3A_116 : i1 to i32
    %sign3A_118 = arith.subi %sign3A_114, %sign3A_117 : i32
    %ne3A_119 = vector.broadcast %sign3A_118 : i32 to vector<32x1536xi32>
    %ne3A_120 = arith.cmpi ne, %sign3A_111, %ne3A_119 : vector<32x1536xi32>
    %rem3A_121 = vector.broadcast %jit3A_100 : i32 to vector<32x1536xi32>
    %rem3A_122 = arith.remsi %iota3A, %rem3A_121 : vector<32x1536xi32>
    %ne3A_123 = arith.constant 0 : i32
    %ne3A_124 = vector.broadcast %ne3A_123 : i32 to vector<32x1536xi32>
    %ne3A_125 = arith.cmpi ne, %rem3A_122, %ne3A_124 : vector<32x1536xi32>
    %and3A_126 = arith.andi %ne3A_120, %ne3A_125 : vector<32x1536xi1>
    %sub3A_127 = arith.constant 1 : i32
    %sub3A_128 = vector.broadcast %sub3A_127 : i32 to vector<32x1536xi32>
    %sub3A_129 = arith.subi %div3A_102, %sub3A_128 : vector<32x1536xi32>
    %select_n3A_130 = arith.select %and3A_126, %sub3A_129, %div3A_102 : vector<32x1536xi1>, vector<32x1536xi32>
    %eq3A_131 = arith.cmpi eq, %select_n3A_130, %iota3A_16 : vector<32x1536xi32>
    %and3A_132 = arith.andi %eq3A_99, %eq3A_131 : vector<32x1536xi1>
    %convert_element_type3A_133 = arith.extui %and3A_132 : vector<32x1536xi1> to vector<32x1536xi32>
    %convert_element_type3A_134 = arith.sitofp %convert_element_type3A_133 : vector<32x1536xi32> to vector<32x1536xf32>
    %dot_general3A_135 = arith.constant dense<0.000000e+00> : vector<32x1536xf32>
    %dot_general3A_136 = tpu.matmul %mul3A_74, %convert_element_type3A_134, %dot_general3A_135 {dimension_numbers = #tpu.dot_dimension_numbers<[1], [0], [0], [1], [0, 0, 1, 1], [], []>, precision = #tpu.contract_precision<fp32>, transpose_lhs_hint = false} : vector<32x32xf32>, vector<32x1536xf32>, vector<32x1536xf32> -> vector<32x1536xf32>
    %add3A_137 = arith.addf %add3A_71, %dot_general3A_136 : vector<32x1536xf32>
    %slice3A_138 = vector.extract_strided_slice %add3A {offsets = [3, 0, 0], sizes = [1, 32, 32], strides = [1, 1, 1]} : vector<4x32x32xf32> to vector<1x32x32xf32>
    %squeeze3A_139 = vector.shape_cast %slice3A_138 : vector<1x32x32xf32> to vector<32x32xf32>
    %mul3A_140 = arith.mulf %squeeze3A_139, %div3A_15 : vector<32x32xf32>
    %jit3A_141 = arith.constant 3 : i32
    %eq3A_142 = arith.constant 0 : i32
    %eq3A_143 = arith.cmpi eq, %jit3A_141, %eq3A_142 : i32
    %jit3A_144 = arith.constant 1 : i32
    %select_n3A_145 = arith.select %eq3A_143, %jit3A_144, %jit3A_141 : i32
    %rem3A_146 = vector.broadcast %select_n3A_145 : i32 to vector<32x1536xi32>
    %rem3A_147 = arith.remsi %iota3A, %rem3A_146 : vector<32x1536xi32>
    %ne3A_148 = arith.constant 0 : i32
    %ne3A_149 = vector.broadcast %ne3A_148 : i32 to vector<32x1536xi32>
    %ne3A_150 = arith.cmpi ne, %rem3A_147, %ne3A_149 : vector<32x1536xi32>
    %lt3A_151 = arith.constant 0 : i32
    %lt3A_152 = vector.broadcast %lt3A_151 : i32 to vector<32x1536xi32>
    %lt3A_153 = arith.cmpi slt, %rem3A_147, %lt3A_152 : vector<32x1536xi32>
    %lt3A_154 = arith.constant 0 : i32
    %lt3A_155 = arith.cmpi slt, %select_n3A_145, %lt3A_154 : i32
    %ne3A_156 = vector.broadcast %lt3A_155 : i1 to vector<32x1536xi1>
    %ne3A_157 = vector.broadcast %ne3A_156 : vector<32x1536xi1> to vector<32x1536xi1>
    %ne3A_158 = arith.xori %lt3A_153, %ne3A_157 : vector<32x1536xi1>
    %and3A_159 = arith.andi %ne3A_158, %ne3A_150 : vector<32x1536xi1>
    %add3A_160 = vector.broadcast %select_n3A_145 : i32 to vector<32x1536xi32>
    %add3A_161 = arith.addi %rem3A_147, %add3A_160 : vector<32x1536xi32>
    %select_n3A_162 = arith.select %and3A_159, %add3A_161, %rem3A_147 : vector<32x1536xi1>, vector<32x1536xi32>
    %eq3A_163 = arith.constant 2 : i32
    %eq3A_164 = vector.broadcast %eq3A_163 : i32 to vector<32x1536xi32>
    %eq3A_165 = arith.cmpi eq, %select_n3A_162, %eq3A_164 : vector<32x1536xi32>
    %jit3A_166 = arith.constant 48 : i32
    %div3A_167 = vector.broadcast %jit3A_166 : i32 to vector<32x1536xi32>
    %div3A_168 = arith.divsi %iota3A, %div3A_167 : vector<32x1536xi32>
    %sign3A_169 = arith.constant 0 : i32
    %sign3A_170 = vector.broadcast %sign3A_169 : i32 to vector<32x1536xi32>
    %sign3A_171 = arith.cmpi sgt, %iota3A, %sign3A_170 : vector<32x1536xi32>
    %sign3A_172 = arith.extui %sign3A_171 : vector<32x1536xi1> to vector<32x1536xi32>
    %sign3A_173 = arith.constant 0 : i32
    %sign3A_174 = vector.broadcast %sign3A_173 : i32 to vector<32x1536xi32>
    %sign3A_175 = arith.cmpi slt, %iota3A, %sign3A_174 : vector<32x1536xi32>
    %sign3A_176 = arith.extui %sign3A_175 : vector<32x1536xi1> to vector<32x1536xi32>
    %sign3A_177 = arith.subi %sign3A_172, %sign3A_176 : vector<32x1536xi32>
    %sign3A_178 = arith.constant 0 : i32
    %sign3A_179 = arith.cmpi sgt, %jit3A_166, %sign3A_178 : i32
    %sign3A_180 = arith.extui %sign3A_179 : i1 to i32
    %sign3A_181 = arith.constant 0 : i32
    %sign3A_182 = arith.cmpi slt, %jit3A_166, %sign3A_181 : i32
    %sign3A_183 = arith.extui %sign3A_182 : i1 to i32
    %sign3A_184 = arith.subi %sign3A_180, %sign3A_183 : i32
    %ne3A_185 = vector.broadcast %sign3A_184 : i32 to vector<32x1536xi32>
    %ne3A_186 = arith.cmpi ne, %sign3A_177, %ne3A_185 : vector<32x1536xi32>
    %rem3A_187 = vector.broadcast %jit3A_166 : i32 to vector<32x1536xi32>
    %rem3A_188 = arith.remsi %iota3A, %rem3A_187 : vector<32x1536xi32>
    %ne3A_189 = arith.constant 0 : i32
    %ne3A_190 = vector.broadcast %ne3A_189 : i32 to vector<32x1536xi32>
    %ne3A_191 = arith.cmpi ne, %rem3A_188, %ne3A_190 : vector<32x1536xi32>
    %and3A_192 = arith.andi %ne3A_186, %ne3A_191 : vector<32x1536xi1>
    %sub3A_193 = arith.constant 1 : i32
    %sub3A_194 = vector.broadcast %sub3A_193 : i32 to vector<32x1536xi32>
    %sub3A_195 = arith.subi %div3A_168, %sub3A_194 : vector<32x1536xi32>
    %select_n3A_196 = arith.select %and3A_192, %sub3A_195, %div3A_168 : vector<32x1536xi1>, vector<32x1536xi32>
    %eq3A_197 = arith.cmpi eq, %select_n3A_196, %iota3A_16 : vector<32x1536xi32>
    %and3A_198 = arith.andi %eq3A_165, %eq3A_197 : vector<32x1536xi1>
    %convert_element_type3A_199 = arith.extui %and3A_198 : vector<32x1536xi1> to vector<32x1536xi32>
    %convert_element_type3A_200 = arith.sitofp %convert_element_type3A_199 : vector<32x1536xi32> to vector<32x1536xf32>
    %dot_general3A_201 = arith.constant dense<0.000000e+00> : vector<32x1536xf32>
    %dot_general3A_202 = tpu.matmul %mul3A_140, %convert_element_type3A_200, %dot_general3A_201 {dimension_numbers = #tpu.dot_dimension_numbers<[1], [0], [0], [1], [0, 0, 1, 1], [], []>, precision = #tpu.contract_precision<fp32>, transpose_lhs_hint = false} : vector<32x32xf32>, vector<32x1536xf32>, vector<32x1536xf32> -> vector<32x1536xf32>
    %add3A_203 = arith.addf %add3A_137, %dot_general3A_202 : vector<32x1536xf32>
    %iota3A_204 = tpu.iota {dimensions = array<i32: 0>} : vector<512x32xi32>
    %jit3A_205 = arith.constant 16 : i32
    %div3A_206 = vector.broadcast %jit3A_205 : i32 to vector<512x32xi32>
    %div3A_207 = arith.divsi %iota3A_204, %div3A_206 : vector<512x32xi32>
    %sign3A_208 = arith.constant 0 : i32
    %sign3A_209 = vector.broadcast %sign3A_208 : i32 to vector<512x32xi32>
    %sign3A_210 = arith.cmpi sgt, %iota3A_204, %sign3A_209 : vector<512x32xi32>
    %sign3A_211 = arith.extui %sign3A_210 : vector<512x32xi1> to vector<512x32xi32>
    %sign3A_212 = arith.constant 0 : i32
    %sign3A_213 = vector.broadcast %sign3A_212 : i32 to vector<512x32xi32>
    %sign3A_214 = arith.cmpi slt, %iota3A_204, %sign3A_213 : vector<512x32xi32>
    %sign3A_215 = arith.extui %sign3A_214 : vector<512x32xi1> to vector<512x32xi32>
    %sign3A_216 = arith.subi %sign3A_211, %sign3A_215 : vector<512x32xi32>
    %sign3A_217 = arith.constant 0 : i32
    %sign3A_218 = arith.cmpi sgt, %jit3A_205, %sign3A_217 : i32
    %sign3A_219 = arith.extui %sign3A_218 : i1 to i32
    %sign3A_220 = arith.constant 0 : i32
    %sign3A_221 = arith.cmpi slt, %jit3A_205, %sign3A_220 : i32
    %sign3A_222 = arith.extui %sign3A_221 : i1 to i32
    %sign3A_223 = arith.subi %sign3A_219, %sign3A_222 : i32
    %ne3A_224 = vector.broadcast %sign3A_223 : i32 to vector<512x32xi32>
    %ne3A_225 = arith.cmpi ne, %sign3A_216, %ne3A_224 : vector<512x32xi32>
    %rem3A_226 = vector.broadcast %jit3A_205 : i32 to vector<512x32xi32>
    %rem3A_227 = arith.remsi %iota3A_204, %rem3A_226 : vector<512x32xi32>
    %ne3A_228 = arith.constant 0 : i32
    %ne3A_229 = vector.broadcast %ne3A_228 : i32 to vector<512x32xi32>
    %ne3A_230 = arith.cmpi ne, %rem3A_227, %ne3A_229 : vector<512x32xi32>
    %and3A_231 = arith.andi %ne3A_225, %ne3A_230 : vector<512x32xi1>
    %sub3A_232 = arith.constant 1 : i32
    %sub3A_233 = vector.broadcast %sub3A_232 : i32 to vector<512x32xi32>
    %sub3A_234 = arith.subi %div3A_207, %sub3A_233 : vector<512x32xi32>
    %select_n3A_235 = arith.select %and3A_231, %sub3A_234, %div3A_207 : vector<512x32xi1>, vector<512x32xi32>
    %iota3A_236 = tpu.iota {dimensions = array<i32: 1>} : vector<512x32xi32>
    %eq3A_237 = arith.cmpi eq, %select_n3A_235, %iota3A_236 : vector<512x32xi32>
    %convert_element_type3A_238 = arith.extui %eq3A_237 : vector<512x32xi1> to vector<512x32xi32>
    %convert_element_type3A_239 = arith.sitofp %convert_element_type3A_238 : vector<512x32xi32> to vector<512x32xf32>
    %dot_general3A_240 = arith.constant dense<0.000000e+00> : vector<512x1536xf32>
    %dot_general3A_241 = tpu.matmul %convert_element_type3A_239, %add3A_203, %dot_general3A_240 {dimension_numbers = #tpu.dot_dimension_numbers<[1], [0], [0], [1], [0, 0, 1, 1], [], []>, precision = #tpu.contract_precision<fp32>, transpose_lhs_hint = false} : vector<512x32xf32>, vector<32x1536xf32>, vector<512x1536xf32> -> vector<512x1536xf32>
    %swap3A = arith.constant 0 : index
    %swap3A_242 = arith.constant 0 : index
    %swap3A_243 = vector.load %arg1[%swap3A, %swap3A_242] : memref<512x1536xf32, #tpu.memory_space<vmem>>, vector<512x1536xf32>
    tpu.vector_store %arg1[%swap3A, %swap3A_242], %dot_general3A_241 {strides = array<i32>} : memref<512x1536xf32, #tpu.memory_space<vmem>>, vector<512x1536xf32>,
    return
  }
}

</mosaic_0001>

<sc_bundles>
// kernel: kernel.5.cloned.1.call-start
scs
__scs_entry_jumppad:
0x0: {  	(pc) =	sbr.rel $0x88, $3  }
0x1: {  	(tag) =	ssettag $0x0;
	lr =	simm.s32 $0x1  }
0x2: {  	[smem:$0x3F9B] =	sst lr;
	_ =	strace $0xD0000000  }
0x3: {  	_ = 	snop  }
0x4: {  	_ = 	snop  }
0x5: {  	_ = 	snop  }
0x6: {  	_ = 	snop  }
0x7: {  	_ = 	snop  }
__scs_overlays_trampoline_lowered:
0x8: {  	[smem:$0x3FAA] =	sst s0  }
0x9: {  	[smem:$0x3FAB] =	sst s1  }
0xa: {  	[smem:$0x3FAC] =	sst s2  }
0xb: {  	[smem:$0x3FAD] =	sst s3  }
0xc: {  	[smem:$0x3FAE] =	sst s4  }
0xd: {  	[smem:$0x3FAF] =	sst s5  }
0xe: {  	[smem:$0x3FB0] =	sst s6  }
0xf: {  	[smem:$0x3FB1] =	sst s7  }
0x10: {  	[smem:$0x3FB2] =	sst s8  }
0x11: {  	[smem:$0x3FB3] =	sst s9;
	s0 =	simm.s32 @!p0 $0x0  }
0x12: {  	s1 =	sld [smem:$0x3F99];
	s0 =	simm.s32 @p0 $0x1  }
0x13: {  	[smem:$0x3FB4] =	sst s0;
	s0 =	simm.s32 @!p1 $0x0  }
0x14: {  	s2 =	sld [smem:$0x3F98];
	s0 =	simm.s32 @p1 $0x1  }
0x15: {  	[smem:$0x3FB5] =	sst s0;
	s0 =	simm.s32 @!p2 $0x0  }
0x16: {  	s3 =	sld [smem:$0x3FDB];
	s0 =	simm.s32 @p2 $0x1  }
0x17: {  	s4 =	simm.s32 $0x1BF5;
	[smem:$0x3FB7] =	sst s0  }
0x18: {  	s0 =	sld [smem:$0x3F9A];
	_ =	swait.ge [sflag:s4], $0x0  }
0x19: {  	s7 =	sld [smem:$0x3F9B]  }
0x1a: {  	s8 =	sadd.s32 $0xFFFFE003, lr  }
0x1b: {  	s9 =	sadd.s32 $0xFFFFFEF7, lr;
	s5 =	simm.s32 $0xFFFFFFFF;
	p2 =	slt.u32 s8, $0xFFFFF086  }
0x1c: {  	p1 =	slt.u32 s9, $0xF7A;
	s5 =	simm.s32 @!p2 $0x0  }
0x1d: {  	s5 =	simm.s32 @p1 $0x1;
	p0 =	seq.s32 s7, s2  }
0x1e: {  	s7 =	smul.u32 @!p0 $0xF7A, s2;
	p2 =	seq.s32 @!p0 s5, $0x0  }
0x1f: {  	s9 =	smul.u32 $0xF7A, s1;
	s8 =	simm.s32 @!p0 $0x1BF5;
	p2 =	por !p2, p0  }
0x20: {  	[sflag:s8] =	ssyncset.s32 @!p0 $0xFFFFF086;
	s6 =	sadd.s32 @!p0 s3, s7;
	s7 =	simm.s32 @!p0 $0x108  }
0x21: {  	s3 =	sadd.s32 s3, s9;
	s6 =	sadd.s32 @!p0 $0x88, s6;
	s7 =	simm.s32 @p2 $0x1082  }
0x22: {  	[simem:s7], [sflag:s8] =	dma.local @!p0 [hbm:s6], $0xF7A  }
0x23: {  	s9 =	sor.u32 $0xD0000000, s2;
	s6 =	simm.s32 $0x108;
	_ =	swait.ge @!p0 [sflag:s8], $0x0  }
0x24: {  	s3 =	sadd.s32 $0x88, s3;
	s6 =	simm.s32 @!p1 $0x1082;
	[sflag:s4] =	ssyncset.s32 $0xFFFFF086  }
0x25: {  	[simem:s6], [sflag:s4] =	dma.local [hbm:s3], $0xF7A  }
0x26: {  	[smem:$0x3F9B] =	sst s1;
	(tag) =	ssettag s2;
	_ =	strace s9  }
0x27: {  	s1 =	sld [smem:$0x3FAB]  }
0x28: {  	s2 =	sld [smem:$0x3FAC]  }
0x29: {  	s4 =	sld [smem:$0x3FAE]  }
0x2a: {  	p0 =	seq.s32 s5, $0x0;
	s5 =	sld [smem:$0x3FAF]  }
0x2b: {  	s6 =	sld [smem:$0x3FB0]  }
0x2c: {  	s7 =	sld [smem:$0x3FB1]  }
0x2d: {  	s3 =	simm.s32 $0x108;
	s8 =	sld [smem:$0x3FB2]  }
0x2e: {  	s3 =	simm.s32 @!p0 $0x1082;
	s9 =	sld [smem:$0x3FB3]  }
0x2f: {  	lr =	sadd.s32 s0, s3;
	s0 =	sld [smem:$0x3FAA]  }
0x30: {  	s3 =	sld [smem:$0x3FAD]  }
0x31: {  	[smem:$0x3FB6] =	sst s10  }
0x32: {  	s10 =	sld [smem:$0x3FB4];
	_ =	sdelay $0x3  }
0x33: {  	p0 =	seq.s32 s10, $0x1;
	s10 =	sld [smem:$0x3FB6];
	_ =	sdelay $0x3  }
0x34: {  	[smem:$0x3FB6] =	sst s10  }
0x35: {  	s10 =	sld [smem:$0x3FB5];
	_ =	sdelay $0x3  }
0x36: {  	p1 =	seq.s32 s10, $0x1;
	s10 =	sld [smem:$0x3FB6];
	_ =	sdelay $0x3  }
0x37: {  	[smem:$0x3FB6] =	sst s10  }
0x38: {  	s10 =	sld [smem:$0x3FB7]  }
0x39: {  	_ = 	snop;
	(pc) =	sbr.ind lr, $3  }
0x3a: {  	_ = 	snop  }
0x3b: {  	_ = 	snop  }
0x3c: {  	p2 =	seq.s32 s10, $0x1;
	s10 =	sld [smem:$0x3FB6]  }
0x3d: {  	_ =	shalt  }
0x3e: {  	_ =	shalt  }
0x3f: {  	_ =	shalt  }
0x40: {  	_ =	shalt  }
0x41: {  	_ =	shalt  }
0x42: {  	_ =	shalt  }
0x43: {  	_ =	shalt  }
0x44: {  	_ =	shalt  }
0x45: {  	_ =	shalt  }
0x46: {  	_ =	shalt  }
0x47: {  	_ =	shalt  }
0x48: {  	_ =	shalt  }
0x49: {  	_ =	shalt  }
0x4a: {  	_ =	shalt  }
0x4b: {  	_ =	shalt  }
0x4c: {  	_ =	shalt  }
0x4d: {  	_ =	shalt  }
0x4e: {  	_ =	shalt  }
0x4f: {  	_ =	shalt  }
0x50: {  	_ =	shalt  }
0x51: {  	_ =	shalt  }
0x52: {  	_ =	shalt  }
0x53: {  	_ =	shalt  }
0x54: {  	_ =	shalt  }
0x55: {  	_ =	shalt  }
0x56: {  	_ =	shalt  }
0x57: {  	_ =	shalt  }
0x58: {  	_ =	shalt  }
0x59: {  	_ =	shalt  }
0x5a: {  	_ =	shalt  }
0x5b: {  	_ =	shalt  }
0x5c: {  	_ =	shalt  }
0x5d: {  	_ =	shalt  }
0x5e: {  	_ =	shalt  }
0x5f: {  	_ =	shalt  }
0x60: {  	_ =	shalt  }
0x61: {  	_ =	shalt  }
0x62: {  	_ =	shalt  }
0x63: {  	_ =	shalt  }
0x64: {  	_ =	shalt  }
0x65: {  	_ =	shalt  }
0x66: {  	_ =	shalt  }
0x67: {  	_ =	shalt  }
0x68: {  	_ =	shalt  }
0x69: {  	_ =	shalt  }
0x6a: {  	_ =	shalt  }
0x6b: {  	_ =	shalt  }
0x6c: {  	_ =	shalt  }
0x6d: {  	_ =	shalt  }
0x6e: {  	_ =	shalt  }
0x6f: {  	_ =	shalt  }
0x70: {  	_ =	shalt  }
0x71: {  	_ =	shalt  }
0x72: {  	_ =	shalt  }
0x73: {  	_ =	shalt  }
0x74: {  	_ =	shalt  }
0x75: {  	_ =	shalt  }
0x76: {  	_ =	shalt  }
0x77: {  	_ =	shalt  }
0x78: {  	_ =	shalt  }
0x79: {  	_ =	shalt  }
0x7a: {  	_ =	shalt  }
0x7b: {  	_ =	shalt  }
0x7c: {  	_ =	shalt  }
0x7d: {  	_ =	shalt  }
0x7e: {  	_ =	shalt  }
0x7f: {  	_ =	shalt  }
0x80: {  	_ =	shalt  }
0x81: {  	_ =	shalt  }
0x82: {  	_ =	shalt  }
0x83: {  	_ =	shalt  }
0x84: {  	_ =	shalt  }
0x85: {  	_ =	shalt  }
0x86: {  	_ =	shalt  }
0x87: {  	_ =	shalt  }
.Lfunc_end0:
.L_simem_size_0:
called_computation_lowered:
.L_overlay_start_0:
0x88: {  	s2 =	sld [smem:$0x3FD9]  }
0x89: {  	s3 =	sld [smem:$0x3FFE];
	_ =	sdelay $0x1  }
0x8a: {  	s1 =	srdreg.scid  }
0x8b: {  	s0 =	sand.u32 $0x1, s1  }
0x8c: {  	s17 =	sshll.u32 s0, $0xA;
	s2 =	sadd.s32 s3, s2  }
0x8d: {  	s2 =	sadd.s32 s2, s17  }
0x8e: {  	[smem:$0x3FC2] =	sst s2  }
0x8f: {  	_ = 	snop  }
0x90: {  	s2 =	sld [smem:$0x3FD0];
	(tm) =	ssettm $0x1  }
0x91: {  	s18 =	sld [smem:$0x3FFB];
	_ =	sdelay $0x3  }
0x92: {  	_ =	strace s18  }
0x93: {  	s3 =	sld [smem:$0x3FFC];
	_ =	sdelay $0x3  }
0x94: {  	_ =	strace s3  }
0x95: {  	s3 =	sld [smem:$0x3FFD];
	_ =	sdelay $0x3  }
0x96: {  	_ =	strace s3  }
0x97: {  	_ =	strace $0x8FFFFFFF  }
0x98: {  	s19 =	sld [smem:$0x3FDB];
	_ =	sdelay $0x1  }
0x99: {  	s4 =	simm.s32 $_scs_section_size  }
0x9a: {  	s5 =	simm.s32 $_size__tile_overlayer_lowered;
	s6 =	simm.s32 $_tile_overlayer_lowered  }
0x9b: {  	s22 =	simm.s32 $0x1BFF;
	s21 =	sshll.u32 s6, $0x1;
	s3 =	sadd.s32 s4, s19  }
0x9c: {  	s7 =	simm.s32 $0x0;
	s20 =	sshll.u32 s5, $0x1;
	s5 =	sadd.s32 s21, s3  }
0x9d: {  	[timem:s7], [sflag:s22] =	dma.local [hbm:s5], s20  }
0x9e: {  	_ =	swait.ge [sflag:s22], s20  }
0x9f: {  	s4 =	ssub.s32 $0x0, s20;
	[sflag:s22] =	ssyncset.done $0x0  }
0xa0: {  	[sflag:s22] =	ssyncadd.s32 s4;
	_ =	sdelay $0x1  }
0xa1: {  	s23 =	simm.s32 $0x1B8B  }
0xa2: {  	_ =	swait.ge [sflag:s23], $0x1  }
0xa3: {  	[sflag:s23] =	ssyncset.done $0x0  }
0xa4: {  	s25 =	simm.s32 $0x1B8E;
	s24 =	sld [smem:$0x3FFE];
	[sflag:s23] =	ssyncadd.s32 $0xFFFFFFFF  }
0xa5: {  	s26 =	simm.s32 $execute0_lowered;
	[smem:$0x3FD2] =	sst s25  }
0xa6: {  	s5 =	sshll.u32 s26, $0x1;
	_ =	strace $0x80000046;
	[dreg:$0x1] =	wrdreg $0xFFFFFFFF  }
0xa7: {  	s28 =	simm.s32 $_size_execute0_lowered;
	s3 =	sadd.s32 s3, s5;
	[dreg:$0x0] =	wrdreg $0x0  }
0xa8: {  	s5 =	sshll.u32 s28, $0x1;
	[dreg:$0x2] =	wrdreg s3  }
0xa9: {  	[dreg:$0x3] =	wrdreg s5  }
0xaa: {  	[dreg:$0x4] =	wrdreg $0xC0  }
0xab: {  	_ =	task [dreg:s7], $0x5FFFF  }
0xac: {  	[dreg:$0x1] =	wrdreg $0xFFFFFFFF  }
0xad: {  	[dreg:$0x0] =	wrdreg $0x60  }
0xae: {  	[dreg:$0x2] =	wrdreg s2  }
0xaf: {  	[dreg:$0x3] =	wrdreg s24  }
0xb0: {  	[dreg:$0x4] =	wrdreg $0x0  }
0xb1: {  	[dreg:$0x5] =	wrdreg $0x400  }
0xb2: {  	[dreg:$0x6] =	wrdreg $0x800  }
0xb3: {  	[dreg:$0x7] =	wrdreg $0xC00  }
0xb4: {  	[dreg:$0x8] =	wrdreg $0x9  }
0xb5: {  	_ =	task.clear_ibuf [dreg:s7], $0x9FFFF;
	_ =	strace $0x90000046  }
0xb6: {  	s29 =	simm.s32 $0x9;
	_ =	strace $0x80000048  }
0xb7: {  	_ =	swait.ge [sflag:s29], $0x1  }
0xb8: {  	[sflag:s29] =	ssyncadd.s32 $0xFFFFFFFF  }
0xb9: {  	_ =	strace $0x90000048  }
0xba: {  	_ =	sfence  }
0xbb: {  	s30 =	sld [smem:$0x0];
	_ =	sdelay $0x2  }
0xbc: {  	s31 =	sshll.u32 s1, $0xD;
	s1 =	sshrl.u32 s1, $0x2  }
0xbd: {  	s3 =	sand.u32 $0x4000, s31;
	s1 =	sadd.s32 s1, s30  }
0xbe: {  	s0 =	sor.u32 s3, s0;
	s1 =	sshll.u32 s1, $0x11  }
0xbf: {  	s0 =	sor.u32 s1, s0  }
0xc0: {  	s0 =	sadd.s32 $0x8F2B, s0  }
0xc1: {  	[sflag:s0] =	ssyncadd.remote.s32 $0x1  }
0xc2: {  	_ =	sfence.sel $0xFFFF  }
0xc3: {  	[dreg:$0x0] =	wrdreg $0xFFFFFFFF;
	(pc) =	sbr.abs _section_cstart, $3  }
0xc4: {  	[dreg:$0x1] =	wrdreg $0xFFFFFFFF  }
0xc5: {  	_ =	task.clear_ibuf [dreg:s7], $0x2FFFF;
	_ =	strace $0x9FFFFFFF  }
0xc6: {  	(tm) =	ssettm $0x7FFFFFFF  }
0xc7: {  	_ =	shalt  }
tec
execute0_lowered:
.L_overlay_start_1:
0x0: {  	(tag) =	ssettag $0x1  }
0x1: {  	s1 =	rddreg [dreg:$0x0]  }
0x2: {  	s3 =	rddreg [dreg:$0x1]  }
0x3: {  	s0 =	rddreg [dreg:$0x2]  }
0x4: {  	s4 =	srdreg.scid;
	s2 =	rddreg [dreg:$0x3]  }
0x5: {  	s26 =	stileid.u32;
	s5 =	rddreg [dreg:$0x5]  }
0x6: {  	s21 =	simm.s32 $0x3F80;
	s22 =	simm.s32 $0x2;
	s28 =	simm.s32 $0x100  }
0x7: {  	s29 =	simm.s32 $0x1;
	s30 =	simm.s32 $0xC80;
	s31 =	simm.s32 $0x40  }
0x8: {  	s7 =	sand.u32 $0x1, s4;
	s4 =	rddreg [dreg:$0x4];
	s10 =	sshll.u32 s26, $0x6  }
0x9: {  	p0 =	sgt.s32 s26, $0x1;
	p1 =	seq.s32 s26, $0x0;
	p2 =	seq.s32 s26, $0x1  }
0xa: {  	p3 =	seq.s32 s26, $0x2;
	p4 =	seq.s32 s26, $0x3;
	s6 =	sshll.u32 s7, $0x4  }
0xb: {  	s23 =	ssub.s32 $0x2, s7;
	s7 =	sshll.u32 s7, $0x9;
	s8 =	sor.u32 s26, s6  }
0xc: {  	s6 =	simm.s32 $0x0;
	s9 =	sshrl.u32 s23, $0x1;
	s26 =	simm.s32 $0x3300  }
0xd: {  	s15 =	smul.u32 $0x190, s8;
	[smem:$0x7FF] =	sst s6;
	s20 =	ssub.s32 s23, s9  }
0xe: {  	s8 =	sadd.s32 s10, s2;
	s9 =	sadd.s32 s10, s4;
	s23 =	simm.s32 $0xD80  }
0xf: {  	_ =	strace $0x80000047;
	s20 =	smax.u32 s20, $0x1;
	s14 =	sadd.s32 s15, s3  }
0x10: {  	s3 =	sadd.s32 s7, s3;
	s7 =	sadd.s32 s10, s0;
	s10 =	sadd.s32 s10, s5  }
.Ltmp0:
0x11: {  	s15 =	sadd.s32 s1, s15;
	s11 =	sadd.s32 $0x1600, s14;
	(pc) =	sbr.rel .LBB2_1-.Ltmp0, $4  }
0x12: {  	s12 =	sadd.s32 $0x4800, s14;
	s13 =	sadd.s32 $0x7A00, s14;
	s14 =	sadd.s32 $0xAC00, s14  }
0x13: {  	s24 =	sadd.s32 $0xDE30, s3;
	s25 =	sadd.s32 $0xDE20, s3;
	s18 =	sadd.s32 $0xDE10, s3  }
0x14: {  	s19 =	sadd.s32 $0xDE00, s3;
	s3 =	simm.s32 $0x10;
	[dreg:$0x7] =	wrdreg s24  }
0x15: {  	v0 =	vimm.f32 $0.0e+00;
	[dreg:$0x8] =	wrdreg s25;
	s24 =	simm.s32 $0x1A00;
	s25 =	simm.s32 $0x2680  }
.LBB2_9:
0x16: {  	s1 =	sshrl.u32 s4, $0x3;
	s16 =	simm.s32 $0x1C82;
	s17 =	rddreg [dreg:$0x8]  }
0x17: {  	[hbm:s17@s31], [sflag:s16] =	dma.strided [spmem:s1@s3], $0x80, s29, $0x10   }
.LBB2_10:
0x18: {  	_ =	swait.ge [sflag:s22], $0x80  }
0x19: {  	[sflag:s22] =	ssyncset.done $0x0  }
0x1a: {  	[sflag:s22] =	ssyncadd.s32 $0xFFFFFF80  }
.LBB2_11:
0x1b: {  	s20 =	sadd.s32 $0xFFFFFFFF, s20  }
0x1c: {  	p5 =	sne.s32 s20, $0x0  }
.Ltmp1:
0x1d: {  	_ = 	snop;
	(pc) =	sbr.rel @!p5 .LBB2_12-.Ltmp1, $1  }
0x1e: {  	_ =	sdelay $0x3  }
.LBB2_1:
0x1f: {  	[tilespmem:$0x3F80] =	vst v0  }
0x20: {  	[tilespmem:$0x3F90] =	vst v0  }
0x21: {  	[tilespmem:$0x3FA0] =	vst v0  }
0x22: {  	[tilespmem:$0x3FB0] =	vst v0  }
0x23: {  	[spmem:s7] =	stream.linear.scatter [tilespmem:s21], [sflag:$0x2], $0x40, $0x38;
	[tilespmem:$0x4000] =	vst v63  }
0x24: {  	_ =	swait.ge [sflag:s22], $0x40  }
0x25: {  	[sflag:s22] =	ssyncset.done $0x0  }
0x26: {  	[sflag:s22] =	ssyncadd.s32 $0xFFFFFFC0  }
0x27: {  	[spmem:s8] =	stream.linear.scatter [tilespmem:s21], [sflag:$0x2], $0x40, $0x38;
	[tilespmem:$0x4000] =	vst v63  }
0x28: {  	_ =	swait.ge [sflag:s22], $0x40  }
0x29: {  	[sflag:s22] =	ssyncset.done $0x0  }
0x2a: {  	[sflag:s22] =	ssyncadd.s32 $0xFFFFFFC0  }
0x2b: {  	[spmem:s9] =	stream.linear.scatter [tilespmem:s21], [sflag:$0x2], $0x40, $0x38;
	[tilespmem:$0x4000] =	vst v63  }
0x2c: {  	_ =	swait.ge [sflag:s22], $0x40  }
0x2d: {  	[sflag:s22] =	ssyncset.done $0x0  }
0x2e: {  	[sflag:s22] =	ssyncadd.s32 $0xFFFFFFC0  }
0x2f: {  	[spmem:s10] =	stream.linear.scatter [tilespmem:s21], [sflag:$0x2], $0x40, $0x38;
	[tilespmem:$0x4000] =	vst v63  }
0x30: {  	_ =	swait.ge [sflag:s22], $0x40  }
0x31: {  	[sflag:s22] =	ssyncset.done $0x0  }
0x32: {  	[sflag:s22] =	ssyncadd.s32 $0xFFFFFFC0  }
0x33: {  	[bflag:$0x0] =	sbarrier.arrive $0xFFFF  }
0x34: {  	[tilespmem:s23], [sflag:$0x1] =	stream.linear.gather [hbm4b:s11+s6], $0xC80, $0x38;
	[tilespmem:$0x4000] =	vst v63  }
0x35: {  	_ = 	snop  }
0x36: {  	[tilespmem:s24], [sflag:$0x1] =	stream.linear.gather [hbm4b:s12+s6], $0xC80, $0x38;
	[tilespmem:$0x4000] =	vst v63  }
0x37: {  	_ = 	snop  }
0x38: {  	[tilespmem:s25], [sflag:$0x1] =	stream.linear.gather [hbm4b:s13+s6], $0xC80, $0x38;
	[tilespmem:$0x4000] =	vst v63  }
0x39: {  	_ = 	snop  }
0x3a: {  	[tilespmem:s26], [sflag:$0x1] =	stream.linear.gather [hbm4b:s14+s6], $0xC80, $0x38;
	[tilespmem:$0x4000] =	vst v63  }
0x3b: {  	_ = 	snop  }
0x3c: {  	[tilespmem:s28], [sflag:$0x2] =	stream.linear.gather [hbm4b:s15+s6], $0xC80, $0x38;
	[tilespmem:$0x4000] =	vst v63  }
0x3d: {  	_ =	swait.ge [sflag:s22], $0xC80  }
0x3e: {  	[sflag:s22] =	ssyncset.done $0x0  }
0x3f: {  	[sflag:s22] =	ssyncadd.s32 $0xFFFFF380  }
0x40: {  	_ =	swait.ge [sflag:s29], $0xC80  }
0x41: {  	[sflag:s29] =	ssyncset.done $0x0  }
0x42: {  	[sflag:s29] =	ssyncadd.s32 $0xFFFFF380  }
0x43: {  	_ =	swait.ge [sflag:s29], $0xC80  }
0x44: {  	[sflag:s29] =	ssyncset.done $0x0  }
0x45: {  	[sflag:s29] =	ssyncadd.s32 $0xFFFFF380  }
0x46: {  	_ =	swait.ge [sflag:s29], $0xC80  }
0x47: {  	[sflag:s29] =	ssyncset.done $0x0  }
0x48: {  	[sflag:s29] =	ssyncadd.s32 $0xFFFFF380  }
0x49: {  	_ =	swait.ge [sflag:s29], $0xC80  }
0x4a: {  	[sflag:s29] =	ssyncset.done $0x0  }
0x4b: {  	[sflag:s29] =	ssyncadd.s32 $0xFFFFF380  }
0x4c: {  	[spmem:s0] =	stream.indirect.scatter.add.f32 [tilespmem:s23], [sflag:$0x2], $0x1, s28, s30, $0xb8;
	[tilespmem:$0x4000] =	vst v63  }
0x4d: {  	_ =	swait.ge [sflag:s22], $0xC80  }
0x4e: {  	[sflag:s22] =	ssyncset.done $0x0  }
0x4f: {  	[sflag:s22] =	ssyncadd.s32 $0xFFFFF380  }
0x50: {  	[spmem:s2] =	stream.indirect.scatter.add.f32 [tilespmem:s24], [sflag:$0x2], $0x1, s28, s30, $0xb8;
	[tilespmem:$0x4000] =	vst v63  }
0x51: {  	_ =	swait.ge [sflag:s22], $0xC80  }
0x52: {  	[sflag:s22] =	ssyncset.done $0x0  }
0x53: {  	[sflag:s22] =	ssyncadd.s32 $0xFFFFF380  }
0x54: {  	[spmem:s4] =	stream.indirect.scatter.add.f32 [tilespmem:s25], [sflag:$0x2], $0x1, s28, s30, $0xb8;
	[tilespmem:$0x4000] =	vst v63  }
0x55: {  	_ =	swait.ge [sflag:s22], $0xC80  }
0x56: {  	[sflag:s22] =	ssyncset.done $0x0  }
0x57: {  	[sflag:s22] =	ssyncadd.s32 $0xFFFFF380  }
0x58: {  	[spmem:s5] =	stream.indirect.scatter.add.f32 [tilespmem:s26], [sflag:$0x2], $0x1, s28, s30, $0xb8;
	[tilespmem:$0x4000] =	vst v63  }
.Ltmp2:
0x59: {  	_ =	swait.ge [sflag:s22], $0xC80;
	(pc) =	sbr.rel @p0 .LBB2_5-.Ltmp2, $3  }
0x5a: {  	[sflag:s22] =	ssyncset.done $0x0  }
0x5b: {  	[sflag:s22] =	ssyncadd.s32 $0xFFFFF380  }
0x5c: {  	[bflag:$0x0] =	sbarrier.arrive $0xFFFF;
	_ =	sdelay $0x1  }
.Ltmp3:
0x5d: {  	(pc) =	sbr.rel @p1 .LBB2_8-.Ltmp3, $1  }
0x5e: {  	_ =	sdelay $0x3  }
.Ltmp4:
0x5f: {  	(pc) =	sbr.rel @!p2 .LBB2_11-.Ltmp4, $1  }
0x60: {  	_ =	sdelay $0x3  }
.Ltmp5:
0x61: {  	(pc) =	sbr.rel .LBB2_10-.Ltmp5, $3  }
0x62: {  	_ =	sdelay $0x1  }
0x63: {  	s1 =	sshrl.u32 s2, $0x3;
	s16 =	simm.s32 $0x1C42  }
0x64: {  	[hbm:s18@s31], [sflag:s16] =	dma.strided [spmem:s1@s3], $0x80, s29, $0x10   }
.LBB2_5:
.Ltmp6:
0x65: {  	(pc) =	sbr.rel @p3 .LBB2_9-.Ltmp6, $1  }
0x66: {  	_ =	sdelay $0x3  }
.Ltmp7:
0x67: {  	(pc) =	sbr.rel @!p4 .LBB2_11-.Ltmp7, $1  }
0x68: {  	_ =	sdelay $0x3  }
.Ltmp8:
0x69: {  	(pc) =	sbr.rel .LBB2_10-.Ltmp8, $3  }
0x6a: {  	_ =	sdelay $0x1  }
0x6b: {  	s1 =	sshrl.u32 s5, $0x3;
	s16 =	rddreg [dreg:$0x7];
	s17 =	simm.s32 $0x1CC2  }
0x6c: {  	[hbm:s16@s31], [sflag:s17] =	dma.strided [spmem:s1@s3], $0x80, s29, $0x10   }
.LBB2_8:
.Ltmp9:
0x6d: {  	(pc) =	sbr.rel .LBB2_10-.Ltmp9, $3  }
0x6e: {  	_ =	sdelay $0x1  }
0x6f: {  	s1 =	sshrl.u32 s0, $0x3;
	s16 =	simm.s32 $0x1C02  }
0x70: {  	[hbm:s19@s31], [sflag:s16] =	dma.strided [spmem:s1@s3], $0x80, s29, $0x10   }
.LBB2_12:
0x71: {  	_ =	sfence.sel $0x180000  }
0x72: {  	[bflag:$0x0] =	sbarrier.arrive $0xFFFF  }
0x73: {  	_ =	strace $0x90000047  }
0x74: {  	s0 =	stileid.u32;
	[bflag:$0x2] =	sbarrier.arrive $0xFFFF  }
0x75: {  	p0 =	sne.s32 s0, $0x0;
	s0 =	rddreg [dreg:$0x6]  }
0x76: {  	s0 =	sadd.s32 @!p0 $0x100000, s0  }
0x77: {  	[sflag:s0] =	ssyncadd.tile.s32 @!p0 $0x1;
	_ =	shalt  }
.Lfunc_end2:
_tile_overlayer_lowered:
.L_overlay_start_2:
0x78: {  	(tag) =	ssettag $0x2  }
0x79: {  	s0 =	rddreg [dreg:$0x0];
	s2 =	stileid.u32  }
0x7a: {  	s1 =	rddreg [dreg:$0x1];
	p0 =	sne.s32 s2, $0x0  }
0x7b: {  	s3 =	rddreg [dreg:$0x2];
	[bflag:$0x3] =	sbarrier.arrive $0xFFFF;
	s2 =	simm.s32 @!p0 $0x1C02  }
0x7c: {  	[timem:s3], [sflag:s2] =	dma.local @!p0 [hbm:s0], s1  }
0x7d: {  	s0 =	simm.s32 @!p0 $0x2  }
0x7e: {  	_ =	swait.ge @!p0 [sflag:s0], s1  }
0x7f: {  	s1 =	ssub.s32 @!p0 $0x0, s1;
	[sflag:s0] =	ssyncset.done @!p0 $0x0  }
0x80: {  	[sflag:s0] =	ssyncadd.s32 @!p0 s1  }
0x81: {  	[bflag:$0x3] =	sbarrier.arrive $0xFFFF  }
0x82: {  	_ =	shalt  }

</sc_bundles>
